<compile_context>
chip_gen: v7x
topology: tpu7x:2x2x1
jax: 0.10.2.dev20260603
libtpu: 0.0.44.dev20260713+nightly
codegen_flags: <defaults>
</compile_context>

<pallas_src>
import functools

import jax
import jax.numpy as jnp
from jax import lax
from jax.experimental import pallas as pl
from jax.experimental.pallas import tpu as pltpu
from jax.experimental.pallas import tpu_sc as plsc

N_ROWS = 262144
N_COLS = 128
LANES = 16
GROUPS = N_COLS // LANES
N_WORKERS = 32
ROWS_PER_WORKER = N_ROWS // N_WORKERS
BLOCK_ROWS = 256
NB = ROWS_PER_WORKER // BLOCK_ROWS
NBUF = 2
UNROLL = 4

_MESH = plsc.VectorSubcoreMesh(core_axis_name="c", subcore_axis_name="s")


@functools.partial(
    pl.kernel,
    out_type=jax.ShapeDtypeStruct((N_WORKERS, N_COLS), jnp.float32),
    mesh=_MESH,
    scratch_types=[
        pltpu.VMEM((NBUF, BLOCK_ROWS, N_COLS), jnp.float32),
        pltpu.VMEM((N_COLS,), jnp.float32),
        pltpu.VMEM((N_COLS,), jnp.float32),
        pltpu.SemaphoreType.DMA,
        pltpu.SemaphoreType.DMA,
    ],
)
def _sc_count(tens_hbm, part_hbm, buf, prow, acc_s, sem0, sem1):
    sems = [sem0, sem1]
    wid = lax.axis_index("s") * 2 + lax.axis_index("c")
    base = wid * ROWS_PER_WORKER
    seed_row = jnp.maximum(base - 1, 0)
    pltpu.sync_copy(tens_hbm.at[seed_row], prow)

    def block_copy(blk, slot):
        return pltpu.make_async_copy(
            tens_hbm.at[pl.ds(base + blk * BLOCK_ROWS, BLOCK_ROWS), :],
            buf.at[slot],
            sems[slot],
        )

    for b in range(NBUF):
        block_copy(b, b).start()

    prev0 = tuple(
        jnp.where(prow[pl.ds(g * LANES, LANES)] > 0.0, 0.0, 1.0)
        for g in range(GROUPS)
    )
    acc0 = tuple(jnp.zeros((LANES,), jnp.float32) for _ in range(GROUPS))

    def outer(ci, carry):
        for b in range(NBUF):
            blk = ci * NBUF + b
            block_copy(blk, b).wait()

            def row_body(r, c2, _b=b):
                pm = list(c2[:GROUPS])
                ac = list(c2[GROUPS:])
                for g in range(GROUPS):
                    cur = buf[_b, r, pl.ds(g * LANES, LANES)]
                    pos = jnp.where(cur > 0.0, 1.0, 0.0)
                    ac[g] = ac[g] + pos * pm[g]
                    pm[g] = 1.0 - pos
                return tuple(pm) + tuple(ac)

            carry = plsc.parallel_loop(
                0, BLOCK_ROWS, step=1, unroll=UNROLL, carry=carry
            )(row_body)

            nxt = blk + NBUF

            @pl.when(nxt < NB)
            def _():
                block_copy(nxt, b).start()

        return carry

    carry = lax.fori_loop(0, NB // NBUF, outer, prev0 + acc0)
    for g in range(GROUPS):
        acc_s[pl.ds(g * LANES, LANES)] = carry[GROUPS + g]
    pltpu.sync_copy(acc_s, part_hbm.at[wid])


def _sum_body(p_ref, o_ref):
    o_ref[...] = jnp.sum(p_ref[...], axis=0, keepdims=True)


def kernel(tens, values):
    del values
    parts = _sc_count(tens)
    out = pl.pallas_call(
        _sum_body,
        out_shape=jax.ShapeDtypeStruct((1, N_COLS), jnp.float32),
    )(parts)
    return out[0]

# --- scband reference (transcript-rebuilt; emitter-appended) ---
"""Pipeline reference for scband-model-19722489823756 (READ-ONLY COPY).

The authoritative reference and input builder live on the scoring server;
editing this copy changes nothing except your own understanding.
"""

import jax, jax.numpy as jnp
import numpy as np


def heaviside_custom(x, values):
    ones = jnp.ones_like(x)
    zeros = jnp.zeros_like(x)
    return jnp.where(x > 0, ones, jnp.where(x < 0, zeros, values))


def setup_inputs(seed: int = 0) -> dict:
    key = jax.random.key(seed)
    tens = jax.random.normal(key, (262144, 128), dtype=jnp.float32)
    values = jnp.zeros((1,), dtype=jnp.float32)  # self.values = tf.constant([0])
    return {"tens": tens, "values": values}


def reference(tens, values):
    t = heaviside_custom(tens, values)
    b = t[1:] - t[:-1]
    mask = jnp.any(jnp.not_equal(b, 0), axis=1)
    # tf.boolean_mask(b, mask) followed by sum(axis=0) is exactly equivalent to
    # zeroing masked-out rows (which are already all-zero) and summing all rows.
    b = jnp.where(jnp.equal(b, -1.0), jnp.zeros_like(b), b)
    b = b * mask[:, None].astype(b.dtype)
    return jnp.sum(b, axis=0)

if __name__ == "__main__":
    import jax
    _d = setup_inputs()
    print(jax.jit(kernel)(*tuple(_d.values())))

</pallas_src>

<mosaic_0001>
#map = affine_map<(d0, d1) -> (0, 0)>
module attributes {stable_mosaic.version = 14 : i64} {
  func.func @_sc_count(%arg0: i32, %arg1: i32, %arg2: memref<262144x128xf32, #tpu.memory_space<hbm>>, %arg3: memref<32x128xf32, #tpu.memory_space<hbm>>, %arg4: memref<2x256x128xf32, #tpu.memory_space<vmem>>, %arg5: memref<128xf32, #tpu.memory_space<vmem>>, %arg6: memref<128xf32, #tpu.memory_space<vmem>>, %arg7: memref<!tpu.dma_semaphore, #tpu.memory_space<semaphore_mem>>, %arg8: memref<!tpu.dma_semaphore, #tpu.memory_space<semaphore_mem>>) attributes {dimension_semantics = [#tpu.dimension_semantics<core_parallel>, #tpu.dimension_semantics<subcore_parallel>], iteration_bounds = array<i64: 2, 16>, scalar_prefetch = 0 : i64, scratch_operands = 5 : i64, tpu.core_type = #tpu.core_type<sc_vector_subcore>, window_params = [{transform_indices = #map}, {transform_indices = #map}]} {
    %mul3A = arith.constant 2 : i32
    %mul3A_0 = arith.muli %arg1, %mul3A : i32
    %add3A = arith.addi %mul3A_0, %arg0 : i32
    %mul3A_1 = arith.constant 8192 : i32
    %mul3A_2 = arith.muli %add3A, %mul3A_1 : i32
    %sub3A = arith.constant 1 : i32
    %sub3A_3 = arith.subi %mul3A_2, %sub3A : i32
    %max3A = arith.constant 0 : i32
    %max3A_4 = arith.maxsi %sub3A_3, %max3A : i32
    "tpu.region"() ({
      %run_scoped3A = tpu.sem_alloc : memref<!tpu.dma_semaphore, #tpu.memory_space<semaphore_mem>>
      %dma_start3A_169 = arith.constant 0 : i32
      %dma_start3A_170 = tpu.memref_slice %arg2[%max3A_4, %dma_start3A_169] : memref<262144x128xf32, #tpu.memory_space<hbm>> -> memref<1x128xf32, #tpu.memory_space<hbm>>
      %dma_start3A_171 = tpu.memref_squeeze %dma_start3A_170 : memref<1x128xf32, #tpu.memory_space<hbm>> -> memref<128xf32, #tpu.memory_space<hbm>>
      %dma_start3A_172 = arith.constant 0 : i32
      %dma_start3A_173 = tpu.memref_slice %arg2[%max3A_4, %dma_start3A_172] : memref<262144x128xf32, #tpu.memory_space<hbm>> -> memref<1x128xf32, #tpu.memory_space<hbm>>
      %dma_start3A_174 = tpu.memref_squeeze %dma_start3A_173 : memref<1x128xf32, #tpu.memory_space<hbm>> -> memref<128xf32, #tpu.memory_space<hbm>>
      tpu.enqueue_dma source(%dma_start3A_174 : memref<128xf32, #tpu.memory_space<hbm>>) target(%arg5 : memref<128xf32, #tpu.memory_space<vmem>>) target_semaphore(%run_scoped3A : memref<!tpu.dma_semaphore, #tpu.memory_space<semaphore_mem>>)
      %dma_wait3A = arith.constant 0 : i32
      %dma_wait3A_175 = tpu.memref_slice %arg2[%max3A_4, %dma_wait3A] : memref<262144x128xf32, #tpu.memory_space<hbm>> -> memref<1x128xf32, #tpu.memory_space<hbm>>
      %dma_wait3A_176 = tpu.memref_squeeze %dma_wait3A_175 : memref<1x128xf32, #tpu.memory_space<hbm>> -> memref<128xf32, #tpu.memory_space<hbm>>
      %dma_wait3A_177 = arith.constant 0 : i32
      %dma_wait3A_178 = tpu.memref_slice %arg2[%max3A_4, %dma_wait3A_177] : memref<262144x128xf32, #tpu.memory_space<hbm>> -> memref<1x128xf32, #tpu.memory_space<hbm>>
      %dma_wait3A_179 = tpu.memref_squeeze %dma_wait3A_178 : memref<1x128xf32, #tpu.memory_space<hbm>> -> memref<128xf32, #tpu.memory_space<hbm>>
      tpu.wait_dma2 semaphore(%run_scoped3A : memref<!tpu.dma_semaphore, #tpu.memory_space<semaphore_mem>>) src(%dma_wait3A_179 : memref<128xf32, #tpu.memory_space<hbm>>) dst(%arg5 : memref<128xf32, #tpu.memory_space<vmem>>)
      tpu.yield
    }) : () -> ()
    %add3A_5 = arith.constant 0 : i32
    %add3A_6 = arith.addi %mul3A_2, %add3A_5 : i32
    %dma_start3A = arith.constant 0 : i32
    %dma_start3A_7 = arith.constant 0 : i32
    %dma_start3A_8 = arith.constant 0 : i32
    %dma_start3A_9 = tpu.memref_slice %arg4[%dma_start3A, %dma_start3A_7, %dma_start3A_8] : memref<2x256x128xf32, #tpu.memory_space<vmem>> -> memref<1x256x128xf32, #tpu.memory_space<vmem>>
    %dma_start3A_10 = tpu.memref_squeeze %dma_start3A_9 : memref<1x256x128xf32, #tpu.memory_space<vmem>> -> memref<256x128xf32, #tpu.memory_space<vmem>>
    %dma_start3A_11 = arith.constant 0 : i32
    %dma_start3A_12 = tpu.memref_slice %arg2[%add3A_6, %dma_start3A_11] : memref<262144x128xf32, #tpu.memory_space<hbm>> -> memref<256x128xf32, #tpu.memory_space<hbm>>
    %dma_start3A_13 = arith.constant 0 : i32
    %dma_start3A_14 = arith.constant 0 : i32
    %dma_start3A_15 = tpu.memref_slice %arg4[%dma_start3A, %dma_start3A_13, %dma_start3A_14] : memref<2x256x128xf32, #tpu.memory_space<vmem>> -> memref<1x256x128xf32, #tpu.memory_space<vmem>>
    %dma_start3A_16 = tpu.memref_squeeze %dma_start3A_15 : memref<1x256x128xf32, #tpu.memory_space<vmem>> -> memref<256x128xf32, #tpu.memory_space<vmem>>
    %dma_start3A_17 = arith.constant 0 : i32
    %dma_start3A_18 = tpu.memref_slice %arg2[%add3A_6, %dma_start3A_17] : memref<262144x128xf32, #tpu.memory_space<hbm>> -> memref<256x128xf32, #tpu.memory_space<hbm>>
    tpu.enqueue_dma source(%dma_start3A_18 : memref<256x128xf32, #tpu.memory_space<hbm>>) target(%dma_start3A_16 : memref<256x128xf32, #tpu.memory_space<vmem>>) target_semaphore(%arg7 : memref<!tpu.dma_semaphore, #tpu.memory_space<semaphore_mem>>)
    %add3A_19 = arith.constant 256 : i32
    %add3A_20 = arith.addi %mul3A_2, %add3A_19 : i32
    %dma_start3A_21 = arith.constant 1 : i32
    %dma_start3A_22 = arith.constant 0 : i32
    %dma_start3A_23 = arith.constant 0 : i32
    %dma_start3A_24 = tpu.memref_slice %arg4[%dma_start3A_21, %dma_start3A_22, %dma_start3A_23] : memref<2x256x128xf32, #tpu.memory_space<vmem>> -> memref<1x256x128xf32, #tpu.memory_space<vmem>>
    %dma_start3A_25 = tpu.memref_squeeze %dma_start3A_24 : memref<1x256x128xf32, #tpu.memory_space<vmem>> -> memref<256x128xf32, #tpu.memory_space<vmem>>
    %dma_start3A_26 = arith.constant 0 : i32
    %dma_start3A_27 = tpu.memref_slice %arg2[%add3A_20, %dma_start3A_26] : memref<262144x128xf32, #tpu.memory_space<hbm>> -> memref<256x128xf32, #tpu.memory_space<hbm>>
    %dma_start3A_28 = arith.constant 0 : i32
    %dma_start3A_29 = arith.constant 0 : i32
    %dma_start3A_30 = tpu.memref_slice %arg4[%dma_start3A_21, %dma_start3A_28, %dma_start3A_29] : memref<2x256x128xf32, #tpu.memory_space<vmem>> -> memref<1x256x128xf32, #tpu.memory_space<vmem>>
    %dma_start3A_31 = tpu.memref_squeeze %dma_start3A_30 : memref<1x256x128xf32, #tpu.memory_space<vmem>> -> memref<256x128xf32, #tpu.memory_space<vmem>>
    %dma_start3A_32 = arith.constant 0 : i32
    %dma_start3A_33 = tpu.memref_slice %arg2[%add3A_20, %dma_start3A_32] : memref<262144x128xf32, #tpu.memory_space<hbm>> -> memref<256x128xf32, #tpu.memory_space<hbm>>
    tpu.enqueue_dma source(%dma_start3A_33 : memref<256x128xf32, #tpu.memory_space<hbm>>) target(%dma_start3A_31 : memref<256x128xf32, #tpu.memory_space<vmem>>) target_semaphore(%arg8 : memref<!tpu.dma_semaphore, #tpu.memory_space<semaphore_mem>>)
    %get3A = arith.constant 0 : index
    %get3A_34 = tpu.vector_load %arg5[%get3A] {strides = array<i32>} : memref<128xf32, #tpu.memory_space<vmem>>, vector<16xf32>,
    %get3A_35 = vector.shape_cast %get3A_34 : vector<16xf32> to vector<16xf32>
    %gt3A = arith.constant 0.000000e+00 : f32
    %gt3A_36 = vector.broadcast %gt3A : f32 to vector<16xf32>
    %gt3A_37 = arith.cmpf ogt, %get3A_35, %gt3A_36 : vector<16xf32>
    %jit3A = arith.constant 0.000000e+00 : f32
    %jit3A_38 = arith.constant 1.000000e+00 : f32
    %broadcast_in_dim3A = vector.broadcast %jit3A : f32 to vector<16xf32>
    %broadcast_in_dim3A_39 = vector.broadcast %jit3A_38 : f32 to vector<16xf32>
    %select_n3A = arith.select %gt3A_37, %broadcast_in_dim3A, %broadcast_in_dim3A_39 : vector<16xi1>, vector<16xf32>
    %get3A_40 = arith.constant 16 : index
    %get3A_41 = tpu.vector_load %arg5[%get3A_40] {strides = array<i32>} : memref<128xf32, #tpu.memory_space<vmem>>, vector<16xf32>,
    %get3A_42 = vector.shape_cast %get3A_41 : vector<16xf32> to vector<16xf32>
    %gt3A_43 = arith.constant 0.000000e+00 : f32
    %gt3A_44 = vector.broadcast %gt3A_43 : f32 to vector<16xf32>
    %gt3A_45 = arith.cmpf ogt, %get3A_42, %gt3A_44 : vector<16xf32>
    %jit3A_46 = arith.constant 0.000000e+00 : f32
    %jit3A_47 = arith.constant 1.000000e+00 : f32
    %broadcast_in_dim3A_48 = vector.broadcast %jit3A_46 : f32 to vector<16xf32>
    %broadcast_in_dim3A_49 = vector.broadcast %jit3A_47 : f32 to vector<16xf32>
    %select_n3A_50 = arith.select %gt3A_45, %broadcast_in_dim3A_48, %broadcast_in_dim3A_49 : vector<16xi1>, vector<16xf32>
    %get3A_51 = arith.constant 32 : index
    %get3A_52 = tpu.vector_load %arg5[%get3A_51] {strides = array<i32>} : memref<128xf32, #tpu.memory_space<vmem>>, vector<16xf32>,
    %get3A_53 = vector.shape_cast %get3A_52 : vector<16xf32> to vector<16xf32>
    %gt3A_54 = arith.constant 0.000000e+00 : f32
    %gt3A_55 = vector.broadcast %gt3A_54 : f32 to vector<16xf32>
    %gt3A_56 = arith.cmpf ogt, %get3A_53, %gt3A_55 : vector<16xf32>
    %jit3A_57 = arith.constant 0.000000e+00 : f32
    %jit3A_58 = arith.constant 1.000000e+00 : f32
    %broadcast_in_dim3A_59 = vector.broadcast %jit3A_57 : f32 to vector<16xf32>
    %broadcast_in_dim3A_60 = vector.broadcast %jit3A_58 : f32 to vector<16xf32>
    %select_n3A_61 = arith.select %gt3A_56, %broadcast_in_dim3A_59, %broadcast_in_dim3A_60 : vector<16xi1>, vector<16xf32>
    %get3A_62 = arith.constant 48 : index
    %get3A_63 = tpu.vector_load %arg5[%get3A_62] {strides = array<i32>} : memref<128xf32, #tpu.memory_space<vmem>>, vector<16xf32>,
    %get3A_64 = vector.shape_cast %get3A_63 : vector<16xf32> to vector<16xf32>
    %gt3A_65 = arith.constant 0.000000e+00 : f32
    %gt3A_66 = vector.broadcast %gt3A_65 : f32 to vector<16xf32>
    %gt3A_67 = arith.cmpf ogt, %get3A_64, %gt3A_66 : vector<16xf32>
    %jit3A_68 = arith.constant 0.000000e+00 : f32
    %jit3A_69 = arith.constant 1.000000e+00 : f32
    %broadcast_in_dim3A_70 = vector.broadcast %jit3A_68 : f32 to vector<16xf32>
    %broadcast_in_dim3A_71 = vector.broadcast %jit3A_69 : f32 to vector<16xf32>
    %select_n3A_72 = arith.select %gt3A_67, %broadcast_in_dim3A_70, %broadcast_in_dim3A_71 : vector<16xi1>, vector<16xf32>
    %get3A_73 = arith.constant 64 : index
    %get3A_74 = tpu.vector_load %arg5[%get3A_73] {strides = array<i32>} : memref<128xf32, #tpu.memory_space<vmem>>, vector<16xf32>,
    %get3A_75 = vector.shape_cast %get3A_74 : vector<16xf32> to vector<16xf32>
    %gt3A_76 = arith.constant 0.000000e+00 : f32
    %gt3A_77 = vector.broadcast %gt3A_76 : f32 to vector<16xf32>
    %gt3A_78 = arith.cmpf ogt, %get3A_75, %gt3A_77 : vector<16xf32>
    %jit3A_79 = arith.constant 0.000000e+00 : f32
    %jit3A_80 = arith.constant 1.000000e+00 : f32
    %broadcast_in_dim3A_81 = vector.broadcast %jit3A_79 : f32 to vector<16xf32>
    %broadcast_in_dim3A_82 = vector.broadcast %jit3A_80 : f32 to vector<16xf32>
    %select_n3A_83 = arith.select %gt3A_78, %broadcast_in_dim3A_81, %broadcast_in_dim3A_82 : vector<16xi1>, vector<16xf32>
    %get3A_84 = arith.constant 80 : index
    %get3A_85 = tpu.vector_load %arg5[%get3A_84] {strides = array<i32>} : memref<128xf32, #tpu.memory_space<vmem>>, vector<16xf32>,
    %get3A_86 = vector.shape_cast %get3A_85 : vector<16xf32> to vector<16xf32>
    %gt3A_87 = arith.constant 0.000000e+00 : f32
    %gt3A_88 = vector.broadcast %gt3A_87 : f32 to vector<16xf32>
    %gt3A_89 = arith.cmpf ogt, %get3A_86, %gt3A_88 : vector<16xf32>
    %jit3A_90 = arith.constant 0.000000e+00 : f32
    %jit3A_91 = arith.constant 1.000000e+00 : f32
    %broadcast_in_dim3A_92 = vector.broadcast %jit3A_90 : f32 to vector<16xf32>
    %broadcast_in_dim3A_93 = vector.broadcast %jit3A_91 : f32 to vector<16xf32>
    %select_n3A_94 = arith.select %gt3A_89, %broadcast_in_dim3A_92, %broadcast_in_dim3A_93 : vector<16xi1>, vector<16xf32>
    %get3A_95 = arith.constant 96 : index
    %get3A_96 = tpu.vector_load %arg5[%get3A_95] {strides = array<i32>} : memref<128xf32, #tpu.memory_space<vmem>>, vector<16xf32>,
    %get3A_97 = vector.shape_cast %get3A_96 : vector<16xf32> to vector<16xf32>
    %gt3A_98 = arith.constant 0.000000e+00 : f32
    %gt3A_99 = vector.broadcast %gt3A_98 : f32 to vector<16xf32>
    %gt3A_100 = arith.cmpf ogt, %get3A_97, %gt3A_99 : vector<16xf32>
    %jit3A_101 = arith.constant 0.000000e+00 : f32
    %jit3A_102 = arith.constant 1.000000e+00 : f32
    %broadcast_in_dim3A_103 = vector.broadcast %jit3A_101 : f32 to vector<16xf32>
    %broadcast_in_dim3A_104 = vector.broadcast %jit3A_102 : f32 to vector<16xf32>
    %select_n3A_105 = arith.select %gt3A_100, %broadcast_in_dim3A_103, %broadcast_in_dim3A_104 : vector<16xi1>, vector<16xf32>
    %get3A_106 = arith.constant 112 : index
    %get3A_107 = tpu.vector_load %arg5[%get3A_106] {strides = array<i32>} : memref<128xf32, #tpu.memory_space<vmem>>, vector<16xf32>,
    %get3A_108 = vector.shape_cast %get3A_107 : vector<16xf32> to vector<16xf32>
    %gt3A_109 = arith.constant 0.000000e+00 : f32
    %gt3A_110 = vector.broadcast %gt3A_109 : f32 to vector<16xf32>
    %gt3A_111 = arith.cmpf ogt, %get3A_108, %gt3A_110 : vector<16xf32>
    %jit3A_112 = arith.constant 0.000000e+00 : f32
    %jit3A_113 = arith.constant 1.000000e+00 : f32
    %broadcast_in_dim3A_114 = vector.broadcast %jit3A_112 : f32 to vector<16xf32>
    %broadcast_in_dim3A_115 = vector.broadcast %jit3A_113 : f32 to vector<16xf32>
    %select_n3A_116 = arith.select %gt3A_111, %broadcast_in_dim3A_114, %broadcast_in_dim3A_115 : vector<16xi1>, vector<16xf32>
    %broadcast_in_dim3A_117 = arith.constant 0.000000e+00 : f32
    %broadcast_in_dim3A_118 = vector.broadcast %broadcast_in_dim3A_117 : f32 to vector<16xf32>
    %broadcast_in_dim3A_119 = arith.constant 0.000000e+00 : f32
    %broadcast_in_dim3A_120 = vector.broadcast %broadcast_in_dim3A_119 : f32 to vector<16xf32>
    %broadcast_in_dim3A_121 = arith.constant 0.000000e+00 : f32
    %broadcast_in_dim3A_122 = vector.broadcast %broadcast_in_dim3A_121 : f32 to vector<16xf32>
    %broadcast_in_dim3A_123 = arith.constant 0.000000e+00 : f32
    %broadcast_in_dim3A_124 = vector.broadcast %broadcast_in_dim3A_123 : f32 to vector<16xf32>
    %broadcast_in_dim3A_125 = arith.constant 0.000000e+00 : f32
    %broadcast_in_dim3A_126 = vector.broadcast %broadcast_in_dim3A_125 : f32 to vector<16xf32>
    %broadcast_in_dim3A_127 = arith.constant 0.000000e+00 : f32
    %broadcast_in_dim3A_128 = vector.broadcast %broadcast_in_dim3A_127 : f32 to vector<16xf32>
    %broadcast_in_dim3A_129 = arith.constant 0.000000e+00 : f32
    %broadcast_in_dim3A_130 = vector.broadcast %broadcast_in_dim3A_129 : f32 to vector<16xf32>
    %broadcast_in_dim3A_131 = arith.constant 0.000000e+00 : f32
    %broadcast_in_dim3A_132 = vector.broadcast %broadcast_in_dim3A_131 : f32 to vector<16xf32>
    %scan3A = arith.constant 0 : i32
    %scan3A_133 = arith.constant 16 : i32
    %scan3A_134 = arith.addi %scan3A, %scan3A_133 : i32
    %scan3A_135 = arith.constant 1 : i32
    %scan3A_136:16 = scf.for %scan3A_169 = %scan3A to %scan3A_134 step %scan3A_135 iter_args(%scan3A_170 = %select_n3A, %scan3A_171 = %select_n3A_50, %scan3A_172 = %select_n3A_61, %scan3A_173 = %select_n3A_72, %scan3A_174 = %select_n3A_83, %scan3A_175 = %select_n3A_94, %scan3A_176 = %select_n3A_105, %scan3A_177 = %select_n3A_116, %scan3A_178 = %broadcast_in_dim3A_118, %scan3A_179 = %broadcast_in_dim3A_120, %scan3A_180 = %broadcast_in_dim3A_122, %scan3A_181 = %broadcast_in_dim3A_124, %scan3A_182 = %broadcast_in_dim3A_126, %scan3A_183 = %broadcast_in_dim3A_128, %scan3A_184 = %broadcast_in_dim3A_130, %scan3A_185 = %broadcast_in_dim3A_132) -> (vector<16xf32>, vector<16xf32>, vector<16xf32>, vector<16xf32>, vector<16xf32>, vector<16xf32>, vector<16xf32>, vector<16xf32>, vector<16xf32>, vector<16xf32>, vector<16xf32>, vector<16xf32>, vector<16xf32>, vector<16xf32>, vector<16xf32>, vector<16xf32>)  : i32 {
      %mul3A_186 = arith.constant 2 : i32
      %mul3A_187 = arith.muli %scan3A_169, %mul3A_186 : i32
      %add3A_188 = arith.constant 0 : i32
      %add3A_189 = arith.addi %mul3A_187, %add3A_188 : i32
      %mul3A_190 = arith.constant 256 : i32
      %mul3A_191 = arith.muli %add3A_189, %mul3A_190 : i32
      %add3A_192 = arith.addi %mul3A_2, %mul3A_191 : i32
      %dma_wait3A = arith.constant 0 : i32
      %dma_wait3A_193 = arith.constant 0 : i32
      %dma_wait3A_194 = arith.constant 0 : i32
      %dma_wait3A_195 = tpu.memref_slice %arg4[%dma_wait3A, %dma_wait3A_193, %dma_wait3A_194] : memref<2x256x128xf32, #tpu.memory_space<vmem>> -> memref<1x256x128xf32, #tpu.memory_space<vmem>>
      %dma_wait3A_196 = tpu.memref_squeeze %dma_wait3A_195 : memref<1x256x128xf32, #tpu.memory_space<vmem>> -> memref<256x128xf32, #tpu.memory_space<vmem>>
      %dma_wait3A_197 = arith.constant 0 : i32
      %dma_wait3A_198 = tpu.memref_slice %arg2[%add3A_192, %dma_wait3A_197] : memref<262144x128xf32, #tpu.memory_space<hbm>> -> memref<256x128xf32, #tpu.memory_space<hbm>>
      %dma_wait3A_199 = arith.constant 0 : i32
      %dma_wait3A_200 = arith.constant 0 : i32
      %dma_wait3A_201 = tpu.memref_slice %arg4[%dma_wait3A, %dma_wait3A_199, %dma_wait3A_200] : memref<2x256x128xf32, #tpu.memory_space<vmem>> -> memref<1x256x128xf32, #tpu.memory_space<vmem>>
      %dma_wait3A_202 = tpu.memref_squeeze %dma_wait3A_201 : memref<1x256x128xf32, #tpu.memory_space<vmem>> -> memref<256x128xf32, #tpu.memory_space<vmem>>
      %dma_wait3A_203 = arith.constant 0 : i32
      %dma_wait3A_204 = tpu.memref_slice %arg2[%add3A_192, %dma_wait3A_203] : memref<262144x128xf32, #tpu.memory_space<hbm>> -> memref<256x128xf32, #tpu.memory_space<hbm>>
      tpu.wait_dma2 semaphore(%arg7 : memref<!tpu.dma_semaphore, #tpu.memory_space<semaphore_mem>>) src(%dma_wait3A_204 : memref<256x128xf32, #tpu.memory_space<hbm>>) dst(%dma_wait3A_202 : memref<256x128xf32, #tpu.memory_space<vmem>>)
      %parallel_loop3A = arith.constant 0 : i32
      %parallel_loop3A_205 = arith.constant 256 : i32
      %parallel_loop3A_206 = arith.constant 1 : i32
      %parallel_loop3A_207:16 = scf.for %parallel_loop3A_243 = %parallel_loop3A to %parallel_loop3A_205 step %parallel_loop3A_206 iter_args(%parallel_loop3A_244 = %scan3A_170, %parallel_loop3A_245 = %scan3A_171, %parallel_loop3A_246 = %scan3A_172, %parallel_loop3A_247 = %scan3A_173, %parallel_loop3A_248 = %scan3A_174, %parallel_loop3A_249 = %scan3A_175, %parallel_loop3A_250 = %scan3A_176, %parallel_loop3A_251 = %scan3A_177, %parallel_loop3A_252 = %scan3A_178, %parallel_loop3A_253 = %scan3A_179, %parallel_loop3A_254 = %scan3A_180, %parallel_loop3A_255 = %scan3A_181, %parallel_loop3A_256 = %scan3A_182, %parallel_loop3A_257 = %scan3A_183, %parallel_loop3A_258 = %scan3A_184, %parallel_loop3A_259 = %scan3A_185) -> (vector<16xf32>, vector<16xf32>, vector<16xf32>, vector<16xf32>, vector<16xf32>, vector<16xf32>, vector<16xf32>, vector<16xf32>, vector<16xf32>, vector<16xf32>, vector<16xf32>, vector<16xf32>, vector<16xf32>, vector<16xf32>, vector<16xf32>, vector<16xf32>)  : i32 {
        %parallel_loop3A_260 = arith.constant 0 : i32
        %parallel_loop3A_261 = arith.index_cast %parallel_loop3A_260 : i32 to index
        %parallel_loop3A_262 = arith.index_cast %parallel_loop3A_243 : i32 to index
        %parallel_loop3A_263 = arith.constant 0 : index
        %parallel_loop3A_264 = tpu.vector_load %arg4[%parallel_loop3A_261, %parallel_loop3A_262, %parallel_loop3A_263] {strides = array<i32>} : memref<2x256x128xf32, #tpu.memory_space<vmem>>, vector<1x1x16xf32>,
        %parallel_loop3A_265 = vector.shape_cast %parallel_loop3A_264 : vector<1x1x16xf32> to vector<16xf32>
        %parallel_loop3A_266 = arith.constant 0.000000e+00 : f32
        %parallel_loop3A_267 = vector.broadcast %parallel_loop3A_266 : f32 to vector<16xf32>
        %parallel_loop3A_268 = arith.cmpf ogt, %parallel_loop3A_265, %parallel_loop3A_267 : vector<16xf32>
        %parallel_loop3A_269 = arith.constant 1.000000e+00 : f32
        %parallel_loop3A_270 = arith.constant 0.000000e+00 : f32
        %parallel_loop3A_271 = vector.broadcast %parallel_loop3A_269 : f32 to vector<16xf32>
        %parallel_loop3A_272 = vector.broadcast %parallel_loop3A_270 : f32 to vector<16xf32>
        %parallel_loop3A_273 = arith.select %parallel_loop3A_268, %parallel_loop3A_271, %parallel_loop3A_272 : vector<16xi1>, vector<16xf32>
        %parallel_loop3A_274 = arith.mulf %parallel_loop3A_273, %parallel_loop3A_244 : vector<16xf32>
        %parallel_loop3A_275 = arith.addf %parallel_loop3A_252, %parallel_loop3A_274 : vector<16xf32>
        %parallel_loop3A_276 = arith.constant 1.000000e+00 : f32
        %parallel_loop3A_277 = vector.broadcast %parallel_loop3A_276 : f32 to vector<16xf32>
        %parallel_loop3A_278 = arith.subf %parallel_loop3A_277, %parallel_loop3A_273 : vector<16xf32>
        %parallel_loop3A_279 = arith.constant 0 : i32
        %parallel_loop3A_280 = arith.index_cast %parallel_loop3A_279 : i32 to index
        %parallel_loop3A_281 = arith.index_cast %parallel_loop3A_243 : i32 to index
        %parallel_loop3A_282 = arith.constant 16 : index
        %parallel_loop3A_283 = tpu.vector_load %arg4[%parallel_loop3A_280, %parallel_loop3A_281, %parallel_loop3A_282] {strides = array<i32>} : memref<2x256x128xf32, #tpu.memory_space<vmem>>, vector<1x1x16xf32>,
        %parallel_loop3A_284 = vector.shape_cast %parallel_loop3A_283 : vector<1x1x16xf32> to vector<16xf32>
        %parallel_loop3A_285 = arith.constant 0.000000e+00 : f32
        %parallel_loop3A_286 = vector.broadcast %parallel_loop3A_285 : f32 to vector<16xf32>
        %parallel_loop3A_287 = arith.cmpf ogt, %parallel_loop3A_284, %parallel_loop3A_286 : vector<16xf32>
        %parallel_loop3A_288 = arith.constant 1.000000e+00 : f32
        %parallel_loop3A_289 = arith.constant 0.000000e+00 : f32
        %parallel_loop3A_290 = vector.broadcast %parallel_loop3A_288 : f32 to vector<16xf32>
        %parallel_loop3A_291 = vector.broadcast %parallel_loop3A_289 : f32 to vector<16xf32>
        %parallel_loop3A_292 = arith.select %parallel_loop3A_287, %parallel_loop3A_290, %parallel_loop3A_291 : vector<16xi1>, vector<16xf32>
        %parallel_loop3A_293 = arith.mulf %parallel_loop3A_292, %parallel_loop3A_245 : vector<16xf32>
        %parallel_loop3A_294 = arith.addf %parallel_loop3A_253, %parallel_loop3A_293 : vector<16xf32>
        %parallel_loop3A_295 = arith.constant 1.000000e+00 : f32
        %parallel_loop3A_296 = vector.broadcast %parallel_loop3A_295 : f32 to vector<16xf32>
        %parallel_loop3A_297 = arith.subf %parallel_loop3A_296, %parallel_loop3A_292 : vector<16xf32>
        %parallel_loop3A_298 = arith.constant 0 : i32
        %parallel_loop3A_299 = arith.index_cast %parallel_loop3A_298 : i32 to index
        %parallel_loop3A_300 = arith.index_cast %parallel_loop3A_243 : i32 to index
        %parallel_loop3A_301 = arith.constant 32 : index
        %parallel_loop3A_302 = tpu.vector_load %arg4[%parallel_loop3A_299, %parallel_loop3A_300, %parallel_loop3A_301] {strides = array<i32>} : memref<2x256x128xf32, #tpu.memory_space<vmem>>, vector<1x1x16xf32>,
        %parallel_loop3A_303 = vector.shape_cast %parallel_loop3A_302 : vector<1x1x16xf32> to vector<16xf32>
        %parallel_loop3A_304 = arith.constant 0.000000e+00 : f32
        %parallel_loop3A_305 = vector.broadcast %parallel_loop3A_304 : f32 to vector<16xf32>
        %parallel_loop3A_306 = arith.cmpf ogt, %parallel_loop3A_303, %parallel_loop3A_305 : vector<16xf32>
        %parallel_loop3A_307 = arith.constant 1.000000e+00 : f32
        %parallel_loop3A_308 = arith.constant 0.000000e+00 : f32
        %parallel_loop3A_309 = vector.broadcast %parallel_loop3A_307 : f32 to vector<16xf32>
        %parallel_loop3A_310 = vector.broadcast %parallel_loop3A_308 : f32 to vector<16xf32>
        %parallel_loop3A_311 = arith.select %parallel_loop3A_306, %parallel_loop3A_309, %parallel_loop3A_310 : vector<16xi1>, vector<16xf32>
        %parallel_loop3A_312 = arith.mulf %parallel_loop3A_311, %parallel_loop3A_246 : vector<16xf32>
        %parallel_loop3A_313 = arith.addf %parallel_loop3A_254, %parallel_loop3A_312 : vector<16xf32>
        %parallel_loop3A_314 = arith.constant 1.000000e+00 : f32
        %parallel_loop3A_315 = vector.broadcast %parallel_loop3A_314 : f32 to vector<16xf32>
        %parallel_loop3A_316 = arith.subf %parallel_loop3A_315, %parallel_loop3A_311 : vector<16xf32>
        %parallel_loop3A_317 = arith.constant 0 : i32
        %parallel_loop3A_318 = arith.index_cast %parallel_loop3A_317 : i32 to index
        %parallel_loop3A_319 = arith.index_cast %parallel_loop3A_243 : i32 to index
        %parallel_loop3A_320 = arith.constant 48 : index
        %parallel_loop3A_321 = tpu.vector_load %arg4[%parallel_loop3A_318, %parallel_loop3A_319, %parallel_loop3A_320] {strides = array<i32>} : memref<2x256x128xf32, #tpu.memory_space<vmem>>, vector<1x1x16xf32>,
        %parallel_loop3A_322 = vector.shape_cast %parallel_loop3A_321 : vector<1x1x16xf32> to vector<16xf32>
        %parallel_loop3A_323 = arith.constant 0.000000e+00 : f32
        %parallel_loop3A_324 = vector.broadcast %parallel_loop3A_323 : f32 to vector<16xf32>
        %parallel_loop3A_325 = arith.cmpf ogt, %parallel_loop3A_322, %parallel_loop3A_324 : vector<16xf32>
        %parallel_loop3A_326 = arith.constant 1.000000e+00 : f32
        %parallel_loop3A_327 = arith.constant 0.000000e+00 : f32
        %parallel_loop3A_328 = vector.broadcast %parallel_loop3A_326 : f32 to vector<16xf32>
        %parallel_loop3A_329 = vector.broadcast %parallel_loop3A_327 : f32 to vector<16xf32>
        %parallel_loop3A_330 = arith.select %parallel_loop3A_325, %parallel_loop3A_328, %parallel_loop3A_329 : vector<16xi1>, vector<16xf32>
        %parallel_loop3A_331 = arith.mulf %parallel_loop3A_330, %parallel_loop3A_247 : vector<16xf32>
        %parallel_loop3A_332 = arith.addf %parallel_loop3A_255, %parallel_loop3A_331 : vector<16xf32>
        %parallel_loop3A_333 = arith.constant 1.000000e+00 : f32
        %parallel_loop3A_334 = vector.broadcast %parallel_loop3A_333 : f32 to vector<16xf32>
        %parallel_loop3A_335 = arith.subf %parallel_loop3A_334, %parallel_loop3A_330 : vector<16xf32>
        %parallel_loop3A_336 = arith.constant 0 : i32
        %parallel_loop3A_337 = arith.index_cast %parallel_loop3A_336 : i32 to index
        %parallel_loop3A_338 = arith.index_cast %parallel_loop3A_243 : i32 to index
        %parallel_loop3A_339 = arith.constant 64 : index
        %parallel_loop3A_340 = tpu.vector_load %arg4[%parallel_loop3A_337, %parallel_loop3A_338, %parallel_loop3A_339] {strides = array<i32>} : memref<2x256x128xf32, #tpu.memory_space<vmem>>, vector<1x1x16xf32>,
        %parallel_loop3A_341 = vector.shape_cast %parallel_loop3A_340 : vector<1x1x16xf32> to vector<16xf32>
        %parallel_loop3A_342 = arith.constant 0.000000e+00 : f32
        %parallel_loop3A_343 = vector.broadcast %parallel_loop3A_342 : f32 to vector<16xf32>
        %parallel_loop3A_344 = arith.cmpf ogt, %parallel_loop3A_341, %parallel_loop3A_343 : vector<16xf32>
        %parallel_loop3A_345 = arith.constant 1.000000e+00 : f32
        %parallel_loop3A_346 = arith.constant 0.000000e+00 : f32
        %parallel_loop3A_347 = vector.broadcast %parallel_loop3A_345 : f32 to vector<16xf32>
        %parallel_loop3A_348 = vector.broadcast %parallel_loop3A_346 : f32 to vector<16xf32>
        %parallel_loop3A_349 = arith.select %parallel_loop3A_344, %parallel_loop3A_347, %parallel_loop3A_348 : vector<16xi1>, vector<16xf32>
        %parallel_loop3A_350 = arith.mulf %parallel_loop3A_349, %parallel_loop3A_248 : vector<16xf32>
        %parallel_loop3A_351 = arith.addf %parallel_loop3A_256, %parallel_loop3A_350 : vector<16xf32>
        %parallel_loop3A_352 = arith.constant 1.000000e+00 : f32
        %parallel_loop3A_353 = vector.broadcast %parallel_loop3A_352 : f32 to vector<16xf32>
        %parallel_loop3A_354 = arith.subf %parallel_loop3A_353, %parallel_loop3A_349 : vector<16xf32>
        %parallel_loop3A_355 = arith.constant 0 : i32
        %parallel_loop3A_356 = arith.index_cast %parallel_loop3A_355 : i32 to index
        %parallel_loop3A_357 = arith.index_cast %parallel_loop3A_243 : i32 to index
        %parallel_loop3A_358 = arith.constant 80 : index
        %parallel_loop3A_359 = tpu.vector_load %arg4[%parallel_loop3A_356, %parallel_loop3A_357, %parallel_loop3A_358] {strides = array<i32>} : memref<2x256x128xf32, #tpu.memory_space<vmem>>, vector<1x1x16xf32>,
        %parallel_loop3A_360 = vector.shape_cast %parallel_loop3A_359 : vector<1x1x16xf32> to vector<16xf32>
        %parallel_loop3A_361 = arith.constant 0.000000e+00 : f32
        %parallel_loop3A_362 = vector.broadcast %parallel_loop3A_361 : f32 to vector<16xf32>
        %parallel_loop3A_363 = arith.cmpf ogt, %parallel_loop3A_360, %parallel_loop3A_362 : vector<16xf32>
        %parallel_loop3A_364 = arith.constant 1.000000e+00 : f32
        %parallel_loop3A_365 = arith.constant 0.000000e+00 : f32
        %parallel_loop3A_366 = vector.broadcast %parallel_loop3A_364 : f32 to vector<16xf32>
        %parallel_loop3A_367 = vector.broadcast %parallel_loop3A_365 : f32 to vector<16xf32>
        %parallel_loop3A_368 = arith.select %parallel_loop3A_363, %parallel_loop3A_366, %parallel_loop3A_367 : vector<16xi1>, vector<16xf32>
        %parallel_loop3A_369 = arith.mulf %parallel_loop3A_368, %parallel_loop3A_249 : vector<16xf32>
        %parallel_loop3A_370 = arith.addf %parallel_loop3A_257, %parallel_loop3A_369 : vector<16xf32>
        %parallel_loop3A_371 = arith.constant 1.000000e+00 : f32
        %parallel_loop3A_372 = vector.broadcast %parallel_loop3A_371 : f32 to vector<16xf32>
        %parallel_loop3A_373 = arith.subf %parallel_loop3A_372, %parallel_loop3A_368 : vector<16xf32>
        %parallel_loop3A_374 = arith.constant 0 : i32
        %parallel_loop3A_375 = arith.index_cast %parallel_loop3A_374 : i32 to index
        %parallel_loop3A_376 = arith.index_cast %parallel_loop3A_243 : i32 to index
        %parallel_loop3A_377 = arith.constant 96 : index
        %parallel_loop3A_378 = tpu.vector_load %arg4[%parallel_loop3A_375, %parallel_loop3A_376, %parallel_loop3A_377] {strides = array<i32>} : memref<2x256x128xf32, #tpu.memory_space<vmem>>, vector<1x1x16xf32>,
        %parallel_loop3A_379 = vector.shape_cast %parallel_loop3A_378 : vector<1x1x16xf32> to vector<16xf32>
        %parallel_loop3A_380 = arith.constant 0.000000e+00 : f32
        %parallel_loop3A_381 = vector.broadcast %parallel_loop3A_380 : f32 to vector<16xf32>
        %parallel_loop3A_382 = arith.cmpf ogt, %parallel_loop3A_379, %parallel_loop3A_381 : vector<16xf32>
        %parallel_loop3A_383 = arith.constant 1.000000e+00 : f32
        %parallel_loop3A_384 = arith.constant 0.000000e+00 : f32
        %parallel_loop3A_385 = vector.broadcast %parallel_loop3A_383 : f32 to vector<16xf32>
        %parallel_loop3A_386 = vector.broadcast %parallel_loop3A_384 : f32 to vector<16xf32>
        %parallel_loop3A_387 = arith.select %parallel_loop3A_382, %parallel_loop3A_385, %parallel_loop3A_386 : vector<16xi1>, vector<16xf32>
        %parallel_loop3A_388 = arith.mulf %parallel_loop3A_387, %parallel_loop3A_250 : vector<16xf32>
        %parallel_loop3A_389 = arith.addf %parallel_loop3A_258, %parallel_loop3A_388 : vector<16xf32>
        %parallel_loop3A_390 = arith.constant 1.000000e+00 : f32
        %parallel_loop3A_391 = vector.broadcast %parallel_loop3A_390 : f32 to vector<16xf32>
        %parallel_loop3A_392 = arith.subf %parallel_loop3A_391, %parallel_loop3A_387 : vector<16xf32>
        %parallel_loop3A_393 = arith.constant 0 : i32
        %parallel_loop3A_394 = arith.index_cast %parallel_loop3A_393 : i32 to index
        %parallel_loop3A_395 = arith.index_cast %parallel_loop3A_243 : i32 to index
        %parallel_loop3A_396 = arith.constant 112 : index
        %parallel_loop3A_397 = tpu.vector_load %arg4[%parallel_loop3A_394, %parallel_loop3A_395, %parallel_loop3A_396] {strides = array<i32>} : memref<2x256x128xf32, #tpu.memory_space<vmem>>, vector<1x1x16xf32>,
        %parallel_loop3A_398 = vector.shape_cast %parallel_loop3A_397 : vector<1x1x16xf32> to vector<16xf32>
        %parallel_loop3A_399 = arith.constant 0.000000e+00 : f32
        %parallel_loop3A_400 = vector.broadcast %parallel_loop3A_399 : f32 to vector<16xf32>
        %parallel_loop3A_401 = arith.cmpf ogt, %parallel_loop3A_398, %parallel_loop3A_400 : vector<16xf32>
        %parallel_loop3A_402 = arith.constant 1.000000e+00 : f32
        %parallel_loop3A_403 = arith.constant 0.000000e+00 : f32
        %parallel_loop3A_404 = vector.broadcast %parallel_loop3A_402 : f32 to vector<16xf32>
        %parallel_loop3A_405 = vector.broadcast %parallel_loop3A_403 : f32 to vector<16xf32>
        %parallel_loop3A_406 = arith.select %parallel_loop3A_401, %parallel_loop3A_404, %parallel_loop3A_405 : vector<16xi1>, vector<16xf32>
        %parallel_loop3A_407 = arith.mulf %parallel_loop3A_406, %parallel_loop3A_251 : vector<16xf32>
        %parallel_loop3A_408 = arith.addf %parallel_loop3A_259, %parallel_loop3A_407 : vector<16xf32>
        %parallel_loop3A_409 = arith.constant 1.000000e+00 : f32
        %parallel_loop3A_410 = vector.broadcast %parallel_loop3A_409 : f32 to vector<16xf32>
        %parallel_loop3A_411 = arith.subf %parallel_loop3A_410, %parallel_loop3A_406 : vector<16xf32>
        scf.yield %parallel_loop3A_278, %parallel_loop3A_297, %parallel_loop3A_316, %parallel_loop3A_335, %parallel_loop3A_354, %parallel_loop3A_373, %parallel_loop3A_392, %parallel_loop3A_411, %parallel_loop3A_275, %parallel_loop3A_294, %parallel_loop3A_313, %parallel_loop3A_332, %parallel_loop3A_351, %parallel_loop3A_370, %parallel_loop3A_389, %parallel_loop3A_408 : vector<16xf32>, vector<16xf32>, vector<16xf32>, vector<16xf32>, vector<16xf32>, vector<16xf32>, vector<16xf32>, vector<16xf32>, vector<16xf32>, vector<16xf32>, vector<16xf32>, vector<16xf32>, vector<16xf32>, vector<16xf32>, vector<16xf32>, vector<16xf32>
      } {sc.loop_unroll_factor = 4 : i64, sc.parallel_access}
      %add3A_208 = arith.constant 2 : i32
      %add3A_209 = arith.addi %add3A_189, %add3A_208 : i32
      %lt3A = arith.constant 32 : i32
      %lt3A_210 = arith.cmpi slt, %add3A_209, %lt3A : i32
      %convert_element_type3A = arith.extui %lt3A_210 : i1 to i32
      %cond3A = arith.constant 0 : i32
      %cond3A_211 = arith.cmpi ne, %convert_element_type3A, %cond3A : i32
      scf.if %cond3A_211 {
        %mul3A_243 = arith.constant 256 : i32
        %mul3A_244 = arith.muli %add3A_209, %mul3A_243 : i32
        %add3A_245 = arith.addi %mul3A_2, %mul3A_244 : i32
        %dma_start3A_246 = arith.constant 0 : i32
        %dma_start3A_247 = arith.constant 0 : i32
        %dma_start3A_248 = arith.constant 0 : i32
        %dma_start3A_249 = tpu.memref_slice %arg4[%dma_start3A_246, %dma_start3A_247, %dma_start3A_248] : memref<2x256x128xf32, #tpu.memory_space<vmem>> -> memref<1x256x128xf32, #tpu.memory_space<vmem>>
        %dma_start3A_250 = tpu.memref_squeeze %dma_start3A_249 : memref<1x256x128xf32, #tpu.memory_space<vmem>> -> memref<256x128xf32, #tpu.memory_space<vmem>>
        %dma_start3A_251 = arith.constant 0 : i32
        %dma_start3A_252 = tpu.memref_slice %arg2[%add3A_245, %dma_start3A_251] : memref<262144x128xf32, #tpu.memory_space<hbm>> -> memref<256x128xf32, #tpu.memory_space<hbm>>
        %dma_start3A_253 = arith.constant 0 : i32
        %dma_start3A_254 = arith.constant 0 : i32
        %dma_start3A_255 = tpu.memref_slice %arg4[%dma_start3A_246, %dma_start3A_253, %dma_start3A_254] : memref<2x256x128xf32, #tpu.memory_space<vmem>> -> memref<1x256x128xf32, #tpu.memory_space<vmem>>
        %dma_start3A_256 = tpu.memref_squeeze %dma_start3A_255 : memref<1x256x128xf32, #tpu.memory_space<vmem>> -> memref<256x128xf32, #tpu.memory_space<vmem>>
        %dma_start3A_257 = arith.constant 0 : i32
        %dma_start3A_258 = tpu.memref_slice %arg2[%add3A_245, %dma_start3A_257] : memref<262144x128xf32, #tpu.memory_space<hbm>> -> memref<256x128xf32, #tpu.memory_space<hbm>>
        tpu.enqueue_dma source(%dma_start3A_258 : memref<256x128xf32, #tpu.memory_space<hbm>>) target(%dma_start3A_256 : memref<256x128xf32, #tpu.memory_space<vmem>>) target_semaphore(%arg7 : memref<!tpu.dma_semaphore, #tpu.memory_space<semaphore_mem>>)
      } else {
      }
      %mul3A_212 = arith.constant 2 : i32
      %mul3A_213 = arith.muli %scan3A_169, %mul3A_212 : i32
      %add3A_214 = arith.constant 1 : i32
      %add3A_215 = arith.addi %mul3A_213, %add3A_214 : i32
      %mul3A_216 = arith.constant 256 : i32
      %mul3A_217 = arith.muli %add3A_215, %mul3A_216 : i32
      %add3A_218 = arith.addi %mul3A_2, %mul3A_217 : i32
      %dma_wait3A_219 = arith.constant 1 : i32
      %dma_wait3A_220 = arith.constant 0 : i32
      %dma_wait3A_221 = arith.constant 0 : i32
      %dma_wait3A_222 = tpu.memref_slice %arg4[%dma_wait3A_219, %dma_wait3A_220, %dma_wait3A_221] : memref<2x256x128xf32, #tpu.memory_space<vmem>> -> memref<1x256x128xf32, #tpu.memory_space<vmem>>
      %dma_wait3A_223 = tpu.memref_squeeze %dma_wait3A_222 : memref<1x256x128xf32, #tpu.memory_space<vmem>> -> memref<256x128xf32, #tpu.memory_space<vmem>>
      %dma_wait3A_224 = arith.constant 0 : i32
      %dma_wait3A_225 = tpu.memref_slice %arg2[%add3A_218, %dma_wait3A_224] : memref<262144x128xf32, #tpu.memory_space<hbm>> -> memref<256x128xf32, #tpu.memory_space<hbm>>
      %dma_wait3A_226 = arith.constant 0 : i32
      %dma_wait3A_227 = arith.constant 0 : i32
      %dma_wait3A_228 = tpu.memref_slice %arg4[%dma_wait3A_219, %dma_wait3A_226, %dma_wait3A_227] : memref<2x256x128xf32, #tpu.memory_space<vmem>> -> memref<1x256x128xf32, #tpu.memory_space<vmem>>
      %dma_wait3A_229 = tpu.memref_squeeze %dma_wait3A_228 : memref<1x256x128xf32, #tpu.memory_space<vmem>> -> memref<256x128xf32, #tpu.memory_space<vmem>>
      %dma_wait3A_230 = arith.constant 0 : i32
      %dma_wait3A_231 = tpu.memref_slice %arg2[%add3A_218, %dma_wait3A_230] : memref<262144x128xf32, #tpu.memory_space<hbm>> -> memref<256x128xf32, #tpu.memory_space<hbm>>
      tpu.wait_dma2 semaphore(%arg8 : memref<!tpu.dma_semaphore, #tpu.memory_space<semaphore_mem>>) src(%dma_wait3A_231 : memref<256x128xf32, #tpu.memory_space<hbm>>) dst(%dma_wait3A_229 : memref<256x128xf32, #tpu.memory_space<vmem>>)
      %parallel_loop3A_232 = arith.constant 0 : i32
      %parallel_loop3A_233 = arith.constant 256 : i32
      %parallel_loop3A_234 = arith.constant 1 : i32
      %parallel_loop3A_235:16 = scf.for %parallel_loop3A_243 = %parallel_loop3A_232 to %parallel_loop3A_233 step %parallel_loop3A_234 iter_args(%parallel_loop3A_244 = %parallel_loop3A_207#0, %parallel_loop3A_245 = %parallel_loop3A_207#1, %parallel_loop3A_246 = %parallel_loop3A_207#2, %parallel_loop3A_247 = %parallel_loop3A_207#3, %parallel_loop3A_248 = %parallel_loop3A_207#4, %parallel_loop3A_249 = %parallel_loop3A_207#5, %parallel_loop3A_250 = %parallel_loop3A_207#6, %parallel_loop3A_251 = %parallel_loop3A_207#7, %parallel_loop3A_252 = %parallel_loop3A_207#8, %parallel_loop3A_253 = %parallel_loop3A_207#9, %parallel_loop3A_254 = %parallel_loop3A_207#10, %parallel_loop3A_255 = %parallel_loop3A_207#11, %parallel_loop3A_256 = %parallel_loop3A_207#12, %parallel_loop3A_257 = %parallel_loop3A_207#13, %parallel_loop3A_258 = %parallel_loop3A_207#14, %parallel_loop3A_259 = %parallel_loop3A_207#15) -> (vector<16xf32>, vector<16xf32>, vector<16xf32>, vector<16xf32>, vector<16xf32>, vector<16xf32>, vector<16xf32>, vector<16xf32>, vector<16xf32>, vector<16xf32>, vector<16xf32>, vector<16xf32>, vector<16xf32>, vector<16xf32>, vector<16xf32>, vector<16xf32>)  : i32 {
        %parallel_loop3A_260 = arith.constant 1 : i32
        %parallel_loop3A_261 = arith.index_cast %parallel_loop3A_260 : i32 to index
        %parallel_loop3A_262 = arith.index_cast %parallel_loop3A_243 : i32 to index
        %parallel_loop3A_263 = arith.constant 0 : index
        %parallel_loop3A_264 = tpu.vector_load %arg4[%parallel_loop3A_261, %parallel_loop3A_262, %parallel_loop3A_263] {strides = array<i32>} : memref<2x256x128xf32, #tpu.memory_space<vmem>>, vector<1x1x16xf32>,
        %parallel_loop3A_265 = vector.shape_cast %parallel_loop3A_264 : vector<1x1x16xf32> to vector<16xf32>
        %parallel_loop3A_266 = arith.constant 0.000000e+00 : f32
        %parallel_loop3A_267 = vector.broadcast %parallel_loop3A_266 : f32 to vector<16xf32>
        %parallel_loop3A_268 = arith.cmpf ogt, %parallel_loop3A_265, %parallel_loop3A_267 : vector<16xf32>
        %parallel_loop3A_269 = arith.constant 1.000000e+00 : f32
        %parallel_loop3A_270 = arith.constant 0.000000e+00 : f32
        %parallel_loop3A_271 = vector.broadcast %parallel_loop3A_269 : f32 to vector<16xf32>
        %parallel_loop3A_272 = vector.broadcast %parallel_loop3A_270 : f32 to vector<16xf32>
        %parallel_loop3A_273 = arith.select %parallel_loop3A_268, %parallel_loop3A_271, %parallel_loop3A_272 : vector<16xi1>, vector<16xf32>
        %parallel_loop3A_274 = arith.mulf %parallel_loop3A_273, %parallel_loop3A_244 : vector<16xf32>
        %parallel_loop3A_275 = arith.addf %parallel_loop3A_252, %parallel_loop3A_274 : vector<16xf32>
        %parallel_loop3A_276 = arith.constant 1.000000e+00 : f32
        %parallel_loop3A_277 = vector.broadcast %parallel_loop3A_276 : f32 to vector<16xf32>
        %parallel_loop3A_278 = arith.subf %parallel_loop3A_277, %parallel_loop3A_273 : vector<16xf32>
        %parallel_loop3A_279 = arith.constant 1 : i32
        %parallel_loop3A_280 = arith.index_cast %parallel_loop3A_279 : i32 to index
        %parallel_loop3A_281 = arith.index_cast %parallel_loop3A_243 : i32 to index
        %parallel_loop3A_282 = arith.constant 16 : index
        %parallel_loop3A_283 = tpu.vector_load %arg4[%parallel_loop3A_280, %parallel_loop3A_281, %parallel_loop3A_282] {strides = array<i32>} : memref<2x256x128xf32, #tpu.memory_space<vmem>>, vector<1x1x16xf32>,
        %parallel_loop3A_284 = vector.shape_cast %parallel_loop3A_283 : vector<1x1x16xf32> to vector<16xf32>
        %parallel_loop3A_285 = arith.constant 0.000000e+00 : f32
        %parallel_loop3A_286 = vector.broadcast %parallel_loop3A_285 : f32 to vector<16xf32>
        %parallel_loop3A_287 = arith.cmpf ogt, %parallel_loop3A_284, %parallel_loop3A_286 : vector<16xf32>
        %parallel_loop3A_288 = arith.constant 1.000000e+00 : f32
        %parallel_loop3A_289 = arith.constant 0.000000e+00 : f32
        %parallel_loop3A_290 = vector.broadcast %parallel_loop3A_288 : f32 to vector<16xf32>
        %parallel_loop3A_291 = vector.broadcast %parallel_loop3A_289 : f32 to vector<16xf32>
        %parallel_loop3A_292 = arith.select %parallel_loop3A_287, %parallel_loop3A_290, %parallel_loop3A_291 : vector<16xi1>, vector<16xf32>
        %parallel_loop3A_293 = arith.mulf %parallel_loop3A_292, %parallel_loop3A_245 : vector<16xf32>
        %parallel_loop3A_294 = arith.addf %parallel_loop3A_253, %parallel_loop3A_293 : vector<16xf32>
        %parallel_loop3A_295 = arith.constant 1.000000e+00 : f32
        %parallel_loop3A_296 = vector.broadcast %parallel_loop3A_295 : f32 to vector<16xf32>
        %parallel_loop3A_297 = arith.subf %parallel_loop3A_296, %parallel_loop3A_292 : vector<16xf32>
        %parallel_loop3A_298 = arith.constant 1 : i32
        %parallel_loop3A_299 = arith.index_cast %parallel_loop3A_298 : i32 to index
        %parallel_loop3A_300 = arith.index_cast %parallel_loop3A_243 : i32 to index
        %parallel_loop3A_301 = arith.constant 32 : index
        %parallel_loop3A_302 = tpu.vector_load %arg4[%parallel_loop3A_299, %parallel_loop3A_300, %parallel_loop3A_301] {strides = array<i32>} : memref<2x256x128xf32, #tpu.memory_space<vmem>>, vector<1x1x16xf32>,
        %parallel_loop3A_303 = vector.shape_cast %parallel_loop3A_302 : vector<1x1x16xf32> to vector<16xf32>
        %parallel_loop3A_304 = arith.constant 0.000000e+00 : f32
        %parallel_loop3A_305 = vector.broadcast %parallel_loop3A_304 : f32 to vector<16xf32>
        %parallel_loop3A_306 = arith.cmpf ogt, %parallel_loop3A_303, %parallel_loop3A_305 : vector<16xf32>
        %parallel_loop3A_307 = arith.constant 1.000000e+00 : f32
        %parallel_loop3A_308 = arith.constant 0.000000e+00 : f32
        %parallel_loop3A_309 = vector.broadcast %parallel_loop3A_307 : f32 to vector<16xf32>
        %parallel_loop3A_310 = vector.broadcast %parallel_loop3A_308 : f32 to vector<16xf32>
        %parallel_loop3A_311 = arith.select %parallel_loop3A_306, %parallel_loop3A_309, %parallel_loop3A_310 : vector<16xi1>, vector<16xf32>
        %parallel_loop3A_312 = arith.mulf %parallel_loop3A_311, %parallel_loop3A_246 : vector<16xf32>
        %parallel_loop3A_313 = arith.addf %parallel_loop3A_254, %parallel_loop3A_312 : vector<16xf32>
        %parallel_loop3A_314 = arith.constant 1.000000e+00 : f32
        %parallel_loop3A_315 = vector.broadcast %parallel_loop3A_314 : f32 to vector<16xf32>
        %parallel_loop3A_316 = arith.subf %parallel_loop3A_315, %parallel_loop3A_311 : vector<16xf32>
        %parallel_loop3A_317 = arith.constant 1 : i32
        %parallel_loop3A_318 = arith.index_cast %parallel_loop3A_317 : i32 to index
        %parallel_loop3A_319 = arith.index_cast %parallel_loop3A_243 : i32 to index
        %parallel_loop3A_320 = arith.constant 48 : index
        %parallel_loop3A_321 = tpu.vector_load %arg4[%parallel_loop3A_318, %parallel_loop3A_319, %parallel_loop3A_320] {strides = array<i32>} : memref<2x256x128xf32, #tpu.memory_space<vmem>>, vector<1x1x16xf32>,
        %parallel_loop3A_322 = vector.shape_cast %parallel_loop3A_321 : vector<1x1x16xf32> to vector<16xf32>
        %parallel_loop3A_323 = arith.constant 0.000000e+00 : f32
        %parallel_loop3A_324 = vector.broadcast %parallel_loop3A_323 : f32 to vector<16xf32>
        %parallel_loop3A_325 = arith.cmpf ogt, %parallel_loop3A_322, %parallel_loop3A_324 : vector<16xf32>
        %parallel_loop3A_326 = arith.constant 1.000000e+00 : f32
        %parallel_loop3A_327 = arith.constant 0.000000e+00 : f32
        %parallel_loop3A_328 = vector.broadcast %parallel_loop3A_326 : f32 to vector<16xf32>
        %parallel_loop3A_329 = vector.broadcast %parallel_loop3A_327 : f32 to vector<16xf32>
        %parallel_loop3A_330 = arith.select %parallel_loop3A_325, %parallel_loop3A_328, %parallel_loop3A_329 : vector<16xi1>, vector<16xf32>
        %parallel_loop3A_331 = arith.mulf %parallel_loop3A_330, %parallel_loop3A_247 : vector<16xf32>
        %parallel_loop3A_332 = arith.addf %parallel_loop3A_255, %parallel_loop3A_331 : vector<16xf32>
        %parallel_loop3A_333 = arith.constant 1.000000e+00 : f32
        %parallel_loop3A_334 = vector.broadcast %parallel_loop3A_333 : f32 to vector<16xf32>
        %parallel_loop3A_335 = arith.subf %parallel_loop3A_334, %parallel_loop3A_330 : vector<16xf32>
        %parallel_loop3A_336 = arith.constant 1 : i32
        %parallel_loop3A_337 = arith.index_cast %parallel_loop3A_336 : i32 to index
        %parallel_loop3A_338 = arith.index_cast %parallel_loop3A_243 : i32 to index
        %parallel_loop3A_339 = arith.constant 64 : index
        %parallel_loop3A_340 = tpu.vector_load %arg4[%parallel_loop3A_337, %parallel_loop3A_338, %parallel_loop3A_339] {strides = array<i32>} : memref<2x256x128xf32, #tpu.memory_space<vmem>>, vector<1x1x16xf32>,
        %parallel_loop3A_341 = vector.shape_cast %parallel_loop3A_340 : vector<1x1x16xf32> to vector<16xf32>
        %parallel_loop3A_342 = arith.constant 0.000000e+00 : f32
        %parallel_loop3A_343 = vector.broadcast %parallel_loop3A_342 : f32 to vector<16xf32>
        %parallel_loop3A_344 = arith.cmpf ogt, %parallel_loop3A_341, %parallel_loop3A_343 : vector<16xf32>
        %parallel_loop3A_345 = arith.constant 1.000000e+00 : f32
        %parallel_loop3A_346 = arith.constant 0.000000e+00 : f32
        %parallel_loop3A_347 = vector.broadcast %parallel_loop3A_345 : f32 to vector<16xf32>
        %parallel_loop3A_348 = vector.broadcast %parallel_loop3A_346 : f32 to vector<16xf32>
        %parallel_loop3A_349 = arith.select %parallel_loop3A_344, %parallel_loop3A_347, %parallel_loop3A_348 : vector<16xi1>, vector<16xf32>
        %parallel_loop3A_350 = arith.mulf %parallel_loop3A_349, %parallel_loop3A_248 : vector<16xf32>
        %parallel_loop3A_351 = arith.addf %parallel_loop3A_256, %parallel_loop3A_350 : vector<16xf32>
        %parallel_loop3A_352 = arith.constant 1.000000e+00 : f32
        %parallel_loop3A_353 = vector.broadcast %parallel_loop3A_352 : f32 to vector<16xf32>
        %parallel_loop3A_354 = arith.subf %parallel_loop3A_353, %parallel_loop3A_349 : vector<16xf32>
        %parallel_loop3A_355 = arith.constant 1 : i32
        %parallel_loop3A_356 = arith.index_cast %parallel_loop3A_355 : i32 to index
        %parallel_loop3A_357 = arith.index_cast %parallel_loop3A_243 : i32 to index
        %parallel_loop3A_358 = arith.constant 80 : index
        %parallel_loop3A_359 = tpu.vector_load %arg4[%parallel_loop3A_356, %parallel_loop3A_357, %parallel_loop3A_358] {strides = array<i32>} : memref<2x256x128xf32, #tpu.memory_space<vmem>>, vector<1x1x16xf32>,
        %parallel_loop3A_360 = vector.shape_cast %parallel_loop3A_359 : vector<1x1x16xf32> to vector<16xf32>
        %parallel_loop3A_361 = arith.constant 0.000000e+00 : f32
        %parallel_loop3A_362 = vector.broadcast %parallel_loop3A_361 : f32 to vector<16xf32>
        %parallel_loop3A_363 = arith.cmpf ogt, %parallel_loop3A_360, %parallel_loop3A_362 : vector<16xf32>
        %parallel_loop3A_364 = arith.constant 1.000000e+00 : f32
        %parallel_loop3A_365 = arith.constant 0.000000e+00 : f32
        %parallel_loop3A_366 = vector.broadcast %parallel_loop3A_364 : f32 to vector<16xf32>
        %parallel_loop3A_367 = vector.broadcast %parallel_loop3A_365 : f32 to vector<16xf32>
        %parallel_loop3A_368 = arith.select %parallel_loop3A_363, %parallel_loop3A_366, %parallel_loop3A_367 : vector<16xi1>, vector<16xf32>
        %parallel_loop3A_369 = arith.mulf %parallel_loop3A_368, %parallel_loop3A_249 : vector<16xf32>
        %parallel_loop3A_370 = arith.addf %parallel_loop3A_257, %parallel_loop3A_369 : vector<16xf32>
        %parallel_loop3A_371 = arith.constant 1.000000e+00 : f32
        %parallel_loop3A_372 = vector.broadcast %parallel_loop3A_371 : f32 to vector<16xf32>
        %parallel_loop3A_373 = arith.subf %parallel_loop3A_372, %parallel_loop3A_368 : vector<16xf32>
        %parallel_loop3A_374 = arith.constant 1 : i32
        %parallel_loop3A_375 = arith.index_cast %parallel_loop3A_374 : i32 to index
        %parallel_loop3A_376 = arith.index_cast %parallel_loop3A_243 : i32 to index
        %parallel_loop3A_377 = arith.constant 96 : index
        %parallel_loop3A_378 = tpu.vector_load %arg4[%parallel_loop3A_375, %parallel_loop3A_376, %parallel_loop3A_377] {strides = array<i32>} : memref<2x256x128xf32, #tpu.memory_space<vmem>>, vector<1x1x16xf32>,
        %parallel_loop3A_379 = vector.shape_cast %parallel_loop3A_378 : vector<1x1x16xf32> to vector<16xf32>
        %parallel_loop3A_380 = arith.constant 0.000000e+00 : f32
        %parallel_loop3A_381 = vector.broadcast %parallel_loop3A_380 : f32 to vector<16xf32>
        %parallel_loop3A_382 = arith.cmpf ogt, %parallel_loop3A_379, %parallel_loop3A_381 : vector<16xf32>
        %parallel_loop3A_383 = arith.constant 1.000000e+00 : f32
        %parallel_loop3A_384 = arith.constant 0.000000e+00 : f32
        %parallel_loop3A_385 = vector.broadcast %parallel_loop3A_383 : f32 to vector<16xf32>
        %parallel_loop3A_386 = vector.broadcast %parallel_loop3A_384 : f32 to vector<16xf32>
        %parallel_loop3A_387 = arith.select %parallel_loop3A_382, %parallel_loop3A_385, %parallel_loop3A_386 : vector<16xi1>, vector<16xf32>
        %parallel_loop3A_388 = arith.mulf %parallel_loop3A_387, %parallel_loop3A_250 : vector<16xf32>
        %parallel_loop3A_389 = arith.addf %parallel_loop3A_258, %parallel_loop3A_388 : vector<16xf32>
        %parallel_loop3A_390 = arith.constant 1.000000e+00 : f32
        %parallel_loop3A_391 = vector.broadcast %parallel_loop3A_390 : f32 to vector<16xf32>
        %parallel_loop3A_392 = arith.subf %parallel_loop3A_391, %parallel_loop3A_387 : vector<16xf32>
        %parallel_loop3A_393 = arith.constant 1 : i32
        %parallel_loop3A_394 = arith.index_cast %parallel_loop3A_393 : i32 to index
        %parallel_loop3A_395 = arith.index_cast %parallel_loop3A_243 : i32 to index
        %parallel_loop3A_396 = arith.constant 112 : index
        %parallel_loop3A_397 = tpu.vector_load %arg4[%parallel_loop3A_394, %parallel_loop3A_395, %parallel_loop3A_396] {strides = array<i32>} : memref<2x256x128xf32, #tpu.memory_space<vmem>>, vector<1x1x16xf32>,
        %parallel_loop3A_398 = vector.shape_cast %parallel_loop3A_397 : vector<1x1x16xf32> to vector<16xf32>
        %parallel_loop3A_399 = arith.constant 0.000000e+00 : f32
        %parallel_loop3A_400 = vector.broadcast %parallel_loop3A_399 : f32 to vector<16xf32>
        %parallel_loop3A_401 = arith.cmpf ogt, %parallel_loop3A_398, %parallel_loop3A_400 : vector<16xf32>
        %parallel_loop3A_402 = arith.constant 1.000000e+00 : f32
        %parallel_loop3A_403 = arith.constant 0.000000e+00 : f32
        %parallel_loop3A_404 = vector.broadcast %parallel_loop3A_402 : f32 to vector<16xf32>
        %parallel_loop3A_405 = vector.broadcast %parallel_loop3A_403 : f32 to vector<16xf32>
        %parallel_loop3A_406 = arith.select %parallel_loop3A_401, %parallel_loop3A_404, %parallel_loop3A_405 : vector<16xi1>, vector<16xf32>
        %parallel_loop3A_407 = arith.mulf %parallel_loop3A_406, %parallel_loop3A_251 : vector<16xf32>
        %parallel_loop3A_408 = arith.addf %parallel_loop3A_259, %parallel_loop3A_407 : vector<16xf32>
        %parallel_loop3A_409 = arith.constant 1.000000e+00 : f32
        %parallel_loop3A_410 = vector.broadcast %parallel_loop3A_409 : f32 to vector<16xf32>
        %parallel_loop3A_411 = arith.subf %parallel_loop3A_410, %parallel_loop3A_406 : vector<16xf32>
        scf.yield %parallel_loop3A_278, %parallel_loop3A_297, %parallel_loop3A_316, %parallel_loop3A_335, %parallel_loop3A_354, %parallel_loop3A_373, %parallel_loop3A_392, %parallel_loop3A_411, %parallel_loop3A_275, %parallel_loop3A_294, %parallel_loop3A_313, %parallel_loop3A_332, %parallel_loop3A_351, %parallel_loop3A_370, %parallel_loop3A_389, %parallel_loop3A_408 : vector<16xf32>, vector<16xf32>, vector<16xf32>, vector<16xf32>, vector<16xf32>, vector<16xf32>, vector<16xf32>, vector<16xf32>, vector<16xf32>, vector<16xf32>, vector<16xf32>, vector<16xf32>, vector<16xf32>, vector<16xf32>, vector<16xf32>, vector<16xf32>
      } {sc.loop_unroll_factor = 4 : i64, sc.parallel_access}
      %add3A_236 = arith.constant 2 : i32
      %add3A_237 = arith.addi %add3A_215, %add3A_236 : i32
      %lt3A_238 = arith.constant 32 : i32
      %lt3A_239 = arith.cmpi slt, %add3A_237, %lt3A_238 : i32
      %convert_element_type3A_240 = arith.extui %lt3A_239 : i1 to i32
      %cond3A_241 = arith.constant 0 : i32
      %cond3A_242 = arith.cmpi ne, %convert_element_type3A_240, %cond3A_241 : i32
      scf.if %cond3A_242 {
        %mul3A_243 = arith.constant 256 : i32
        %mul3A_244 = arith.muli %add3A_237, %mul3A_243 : i32
        %add3A_245 = arith.addi %mul3A_2, %mul3A_244 : i32
        %dma_start3A_246 = arith.constant 1 : i32
        %dma_start3A_247 = arith.constant 0 : i32
        %dma_start3A_248 = arith.constant 0 : i32
        %dma_start3A_249 = tpu.memref_slice %arg4[%dma_start3A_246, %dma_start3A_247, %dma_start3A_248] : memref<2x256x128xf32, #tpu.memory_space<vmem>> -> memref<1x256x128xf32, #tpu.memory_space<vmem>>
        %dma_start3A_250 = tpu.memref_squeeze %dma_start3A_249 : memref<1x256x128xf32, #tpu.memory_space<vmem>> -> memref<256x128xf32, #tpu.memory_space<vmem>>
        %dma_start3A_251 = arith.constant 0 : i32
        %dma_start3A_252 = tpu.memref_slice %arg2[%add3A_245, %dma_start3A_251] : memref<262144x128xf32, #tpu.memory_space<hbm>> -> memref<256x128xf32, #tpu.memory_space<hbm>>
        %dma_start3A_253 = arith.constant 0 : i32
        %dma_start3A_254 = arith.constant 0 : i32
        %dma_start3A_255 = tpu.memref_slice %arg4[%dma_start3A_246, %dma_start3A_253, %dma_start3A_254] : memref<2x256x128xf32, #tpu.memory_space<vmem>> -> memref<1x256x128xf32, #tpu.memory_space<vmem>>
        %dma_start3A_256 = tpu.memref_squeeze %dma_start3A_255 : memref<1x256x128xf32, #tpu.memory_space<vmem>> -> memref<256x128xf32, #tpu.memory_space<vmem>>
        %dma_start3A_257 = arith.constant 0 : i32
        %dma_start3A_258 = tpu.memref_slice %arg2[%add3A_245, %dma_start3A_257] : memref<262144x128xf32, #tpu.memory_space<hbm>> -> memref<256x128xf32, #tpu.memory_space<hbm>>
        tpu.enqueue_dma source(%dma_start3A_258 : memref<256x128xf32, #tpu.memory_space<hbm>>) target(%dma_start3A_256 : memref<256x128xf32, #tpu.memory_space<vmem>>) target_semaphore(%arg8 : memref<!tpu.dma_semaphore, #tpu.memory_space<semaphore_mem>>)
      } else {
      }
      scf.yield %parallel_loop3A_235#0, %parallel_loop3A_235#1, %parallel_loop3A_235#2, %parallel_loop3A_235#3, %parallel_loop3A_235#4, %parallel_loop3A_235#5, %parallel_loop3A_235#6, %parallel_loop3A_235#7, %parallel_loop3A_235#8, %parallel_loop3A_235#9, %parallel_loop3A_235#10, %parallel_loop3A_235#11, %parallel_loop3A_235#12, %parallel_loop3A_235#13, %parallel_loop3A_235#14, %parallel_loop3A_235#15 : vector<16xf32>, vector<16xf32>, vector<16xf32>, vector<16xf32>, vector<16xf32>, vector<16xf32>, vector<16xf32>, vector<16xf32>, vector<16xf32>, vector<16xf32>, vector<16xf32>, vector<16xf32>, vector<16xf32>, vector<16xf32>, vector<16xf32>, vector<16xf32>
    }
    %scan3A_137 = arith.constant 16 : i32
    %swap3A = arith.constant 0 : index
    %swap3A_138 = tpu.vector_load %arg6[%swap3A] {strides = array<i32>} : memref<128xf32, #tpu.memory_space<vmem>>, vector<16xf32>,
    %swap3A_139 = vector.shape_cast %swap3A_138 : vector<16xf32> to vector<16xf32>
    %swap3A_140 = vector.shape_cast %scan3A_136#8 : vector<16xf32> to vector<16xf32>
    tpu.vector_store %arg6[%swap3A], %swap3A_140 {strides = array<i32>} : memref<128xf32, #tpu.memory_space<vmem>>, vector<16xf32>,
    %swap3A_141 = arith.constant 16 : index
    %swap3A_142 = tpu.vector_load %arg6[%swap3A_141] {strides = array<i32>} : memref<128xf32, #tpu.memory_space<vmem>>, vector<16xf32>,
    %swap3A_143 = vector.shape_cast %swap3A_142 : vector<16xf32> to vector<16xf32>
    %swap3A_144 = vector.shape_cast %scan3A_136#9 : vector<16xf32> to vector<16xf32>
    tpu.vector_store %arg6[%swap3A_141], %swap3A_144 {strides = array<i32>} : memref<128xf32, #tpu.memory_space<vmem>>, vector<16xf32>,
    %swap3A_145 = arith.constant 32 : index
    %swap3A_146 = tpu.vector_load %arg6[%swap3A_145] {strides = array<i32>} : memref<128xf32, #tpu.memory_space<vmem>>, vector<16xf32>,
    %swap3A_147 = vector.shape_cast %swap3A_146 : vector<16xf32> to vector<16xf32>
    %swap3A_148 = vector.shape_cast %scan3A_136#10 : vector<16xf32> to vector<16xf32>
    tpu.vector_store %arg6[%swap3A_145], %swap3A_148 {strides = array<i32>} : memref<128xf32, #tpu.memory_space<vmem>>, vector<16xf32>,
    %swap3A_149 = arith.constant 48 : index
    %swap3A_150 = tpu.vector_load %arg6[%swap3A_149] {strides = array<i32>} : memref<128xf32, #tpu.memory_space<vmem>>, vector<16xf32>,
    %swap3A_151 = vector.shape_cast %swap3A_150 : vector<16xf32> to vector<16xf32>
    %swap3A_152 = vector.shape_cast %scan3A_136#11 : vector<16xf32> to vector<16xf32>
    tpu.vector_store %arg6[%swap3A_149], %swap3A_152 {strides = array<i32>} : memref<128xf32, #tpu.memory_space<vmem>>, vector<16xf32>,
    %swap3A_153 = arith.constant 64 : index
    %swap3A_154 = tpu.vector_load %arg6[%swap3A_153] {strides = array<i32>} : memref<128xf32, #tpu.memory_space<vmem>>, vector<16xf32>,
    %swap3A_155 = vector.shape_cast %swap3A_154 : vector<16xf32> to vector<16xf32>
    %swap3A_156 = vector.shape_cast %scan3A_136#12 : vector<16xf32> to vector<16xf32>
    tpu.vector_store %arg6[%swap3A_153], %swap3A_156 {strides = array<i32>} : memref<128xf32, #tpu.memory_space<vmem>>, vector<16xf32>,
    %swap3A_157 = arith.constant 80 : index
    %swap3A_158 = tpu.vector_load %arg6[%swap3A_157] {strides = array<i32>} : memref<128xf32, #tpu.memory_space<vmem>>, vector<16xf32>,
    %swap3A_159 = vector.shape_cast %swap3A_158 : vector<16xf32> to vector<16xf32>
    %swap3A_160 = vector.shape_cast %scan3A_136#13 : vector<16xf32> to vector<16xf32>
    tpu.vector_store %arg6[%swap3A_157], %swap3A_160 {strides = array<i32>} : memref<128xf32, #tpu.memory_space<vmem>>, vector<16xf32>,
    %swap3A_161 = arith.constant 96 : index
    %swap3A_162 = tpu.vector_load %arg6[%swap3A_161] {strides = array<i32>} : memref<128xf32, #tpu.memory_space<vmem>>, vector<16xf32>,
    %swap3A_163 = vector.shape_cast %swap3A_162 : vector<16xf32> to vector<16xf32>
    %swap3A_164 = vector.shape_cast %scan3A_136#14 : vector<16xf32> to vector<16xf32>
    tpu.vector_store %arg6[%swap3A_161], %swap3A_164 {strides = array<i32>} : memref<128xf32, #tpu.memory_space<vmem>>, vector<16xf32>,
    %swap3A_165 = arith.constant 112 : index
    %swap3A_166 = tpu.vector_load %arg6[%swap3A_165] {strides = array<i32>} : memref<128xf32, #tpu.memory_space<vmem>>, vector<16xf32>,
    %swap3A_167 = vector.shape_cast %swap3A_166 : vector<16xf32> to vector<16xf32>
    %swap3A_168 = vector.shape_cast %scan3A_136#15 : vector<16xf32> to vector<16xf32>
    tpu.vector_store %arg6[%swap3A_165], %swap3A_168 {strides = array<i32>} : memref<128xf32, #tpu.memory_space<vmem>>, vector<16xf32>,
    "tpu.region"() ({
      %run_scoped3A = tpu.sem_alloc : memref<!tpu.dma_semaphore, #tpu.memory_space<semaphore_mem>>
      %dma_start3A_169 = arith.constant 0 : i32
      %dma_start3A_170 = tpu.memref_slice %arg3[%add3A, %dma_start3A_169] : memref<32x128xf32, #tpu.memory_space<hbm>> -> memref<1x128xf32, #tpu.memory_space<hbm>>
      %dma_start3A_171 = tpu.memref_squeeze %dma_start3A_170 : memref<1x128xf32, #tpu.memory_space<hbm>> -> memref<128xf32, #tpu.memory_space<hbm>>
      %dma_start3A_172 = arith.constant 0 : i32
      %dma_start3A_173 = tpu.memref_slice %arg3[%add3A, %dma_start3A_172] : memref<32x128xf32, #tpu.memory_space<hbm>> -> memref<1x128xf32, #tpu.memory_space<hbm>>
      %dma_start3A_174 = tpu.memref_squeeze %dma_start3A_173 : memref<1x128xf32, #tpu.memory_space<hbm>> -> memref<128xf32, #tpu.memory_space<hbm>>
      tpu.enqueue_dma source(%arg6 : memref<128xf32, #tpu.memory_space<vmem>>) target(%dma_start3A_174 : memref<128xf32, #tpu.memory_space<hbm>>) target_semaphore(%run_scoped3A : memref<!tpu.dma_semaphore, #tpu.memory_space<semaphore_mem>>)
      %dma_wait3A = arith.constant 0 : i32
      %dma_wait3A_175 = tpu.memref_slice %arg3[%add3A, %dma_wait3A] : memref<32x128xf32, #tpu.memory_space<hbm>> -> memref<1x128xf32, #tpu.memory_space<hbm>>
      %dma_wait3A_176 = tpu.memref_squeeze %dma_wait3A_175 : memref<1x128xf32, #tpu.memory_space<hbm>> -> memref<128xf32, #tpu.memory_space<hbm>>
      %dma_wait3A_177 = arith.constant 0 : i32
      %dma_wait3A_178 = tpu.memref_slice %arg3[%add3A, %dma_wait3A_177] : memref<32x128xf32, #tpu.memory_space<hbm>> -> memref<1x128xf32, #tpu.memory_space<hbm>>
      %dma_wait3A_179 = tpu.memref_squeeze %dma_wait3A_178 : memref<1x128xf32, #tpu.memory_space<hbm>> -> memref<128xf32, #tpu.memory_space<hbm>>
      tpu.wait_dma2 semaphore(%run_scoped3A : memref<!tpu.dma_semaphore, #tpu.memory_space<semaphore_mem>>) src(%arg6 : memref<128xf32, #tpu.memory_space<vmem>>) dst(%dma_wait3A_179 : memref<128xf32, #tpu.memory_space<hbm>>)
      tpu.yield
    }) : () -> ()
    return
  }
}

module attributes {stable_mosaic.version = 14 : i64} {
  func.func @_sum_body(%arg0: memref<32x128xf32, #tpu.memory_space<vmem>>, %arg1: memref<1x128xf32, #tpu.memory_space<vmem>>) attributes {dimension_semantics = [], scalar_prefetch = 0 : i64, scratch_operands = 0 : i64, tpu.core_type = #tpu.core_type<tc>} {
    %get3A = arith.constant 0 : index
    %get3A_0 = arith.constant 0 : index
    %get3A_1 = vector.load %arg0[%get3A, %get3A_0] : memref<32x128xf32, #tpu.memory_space<vmem>>, vector<32x128xf32>
    %reduce_sum3A = arith.constant dense<0.000000e+00> : vector<128xf32>
    %reduce_sum3A_2 = vector.multi_reduction <add>, %get3A_1, %reduce_sum3A [0] : vector<32x128xf32> to vector<128xf32>
    %broadcast_in_dim3A = vector.shape_cast %reduce_sum3A_2 : vector<128xf32> to vector<1x128xf32>
    %swap3A = arith.constant 0 : index
    %swap3A_3 = arith.constant 0 : index
    %swap3A_4 = vector.load %arg1[%swap3A, %swap3A_3] : memref<1x128xf32, #tpu.memory_space<vmem>>, vector<1x128xf32>
    tpu.vector_store %arg1[%swap3A, %swap3A_3], %broadcast_in_dim3A {strides = array<i32>} : memref<1x128xf32, #tpu.memory_space<vmem>>, vector<1x128xf32>,
    return
  }
}

</mosaic_0001>

<sc_bundles>
// kernel: kernel.4.cloned.1.call-start
scs
__scs_entry_jumppad:
0x0: {  	(pc) =	sbr.rel $0x88, $3  }
0x1: {  	(tag) =	ssettag $0x0;
	lr =	simm.s32 $0x1  }
0x2: {  	[smem:$0x3FA0] =	sst lr;
	_ =	strace $0xD0000000  }
0x3: {  	_ = 	snop  }
0x4: {  	_ = 	snop  }
0x5: {  	_ = 	snop  }
0x6: {  	_ = 	snop  }
0x7: {  	_ = 	snop  }
__scs_overlays_trampoline_lowered:
0x8: {  	[smem:$0x3FAF] =	sst s0  }
0x9: {  	[smem:$0x3FB0] =	sst s1  }
0xa: {  	[smem:$0x3FB1] =	sst s2  }
0xb: {  	[smem:$0x3FB2] =	sst s3  }
0xc: {  	[smem:$0x3FB3] =	sst s4  }
0xd: {  	[smem:$0x3FB4] =	sst s5  }
0xe: {  	[smem:$0x3FB5] =	sst s6  }
0xf: {  	[smem:$0x3FB6] =	sst s7  }
0x10: {  	[smem:$0x3FB7] =	sst s8  }
0x11: {  	[smem:$0x3FB8] =	sst s9;
	s0 =	simm.s32 @!p0 $0x0  }
0x12: {  	s1 =	sld [smem:$0x3F9E];
	s0 =	simm.s32 @p0 $0x1  }
0x13: {  	[smem:$0x3FB9] =	sst s0;
	s0 =	simm.s32 @!p1 $0x0  }
0x14: {  	s2 =	sld [smem:$0x3F9D];
	s0 =	simm.s32 @p1 $0x1  }
0x15: {  	[smem:$0x3FBA] =	sst s0;
	s0 =	simm.s32 @!p2 $0x0  }
0x16: {  	s3 =	sld [smem:$0x3FDB];
	s0 =	simm.s32 @p2 $0x1  }
0x17: {  	s4 =	simm.s32 $0x1BF5;
	[smem:$0x3FBC] =	sst s0  }
0x18: {  	s0 =	sld [smem:$0x3F9F];
	_ =	swait.ge [sflag:s4], $0x0  }
0x19: {  	s7 =	sld [smem:$0x3FA0]  }
0x1a: {  	s8 =	sadd.s32 $0xFFFFE003, lr  }
0x1b: {  	s9 =	sadd.s32 $0xFFFFFEF7, lr;
	s5 =	simm.s32 $0xFFFFFFFF;
	p2 =	slt.u32 s8, $0xFFFFF086  }
0x1c: {  	p1 =	slt.u32 s9, $0xF7A;
	s5 =	simm.s32 @!p2 $0x0  }
0x1d: {  	s5 =	simm.s32 @p1 $0x1;
	p0 =	seq.s32 s7, s2  }
0x1e: {  	s7 =	smul.u32 @!p0 $0xF7A, s2;
	p2 =	seq.s32 @!p0 s5, $0x0  }
0x1f: {  	s9 =	smul.u32 $0xF7A, s1;
	s8 =	simm.s32 @!p0 $0x1BF5;
	p2 =	por !p2, p0  }
0x20: {  	[sflag:s8] =	ssyncset.s32 @!p0 $0xFFFFF086;
	s6 =	sadd.s32 @!p0 s3, s7;
	s7 =	simm.s32 @!p0 $0x108  }
0x21: {  	s3 =	sadd.s32 s3, s9;
	s6 =	sadd.s32 @!p0 $0x88, s6;
	s7 =	simm.s32 @p2 $0x1082  }
0x22: {  	[simem:s7], [sflag:s8] =	dma.local @!p0 [hbm:s6], $0xF7A  }
0x23: {  	s9 =	sor.u32 $0xD0000000, s2;
	s6 =	simm.s32 $0x108;
	_ =	swait.ge @!p0 [sflag:s8], $0x0  }
0x24: {  	s3 =	sadd.s32 $0x88, s3;
	s6 =	simm.s32 @!p1 $0x1082;
	[sflag:s4] =	ssyncset.s32 $0xFFFFF086  }
0x25: {  	[simem:s6], [sflag:s4] =	dma.local [hbm:s3], $0xF7A  }
0x26: {  	[smem:$0x3FA0] =	sst s1;
	(tag) =	ssettag s2;
	_ =	strace s9  }
0x27: {  	s1 =	sld [smem:$0x3FB0]  }
0x28: {  	s2 =	sld [smem:$0x3FB1]  }
0x29: {  	s4 =	sld [smem:$0x3FB3]  }
0x2a: {  	p0 =	seq.s32 s5, $0x0;
	s5 =	sld [smem:$0x3FB4]  }
0x2b: {  	s6 =	sld [smem:$0x3FB5]  }
0x2c: {  	s7 =	sld [smem:$0x3FB6]  }
0x2d: {  	s3 =	simm.s32 $0x108;
	s8 =	sld [smem:$0x3FB7]  }
0x2e: {  	s3 =	simm.s32 @!p0 $0x1082;
	s9 =	sld [smem:$0x3FB8]  }
0x2f: {  	lr =	sadd.s32 s0, s3;
	s0 =	sld [smem:$0x3FAF]  }
0x30: {  	s3 =	sld [smem:$0x3FB2]  }
0x31: {  	[smem:$0x3FBB] =	sst s10  }
0x32: {  	s10 =	sld [smem:$0x3FB9];
	_ =	sdelay $0x3  }
0x33: {  	p0 =	seq.s32 s10, $0x1;
	s10 =	sld [smem:$0x3FBB];
	_ =	sdelay $0x3  }
0x34: {  	[smem:$0x3FBB] =	sst s10  }
0x35: {  	s10 =	sld [smem:$0x3FBA];
	_ =	sdelay $0x3  }
0x36: {  	p1 =	seq.s32 s10, $0x1;
	s10 =	sld [smem:$0x3FBB];
	_ =	sdelay $0x3  }
0x37: {  	[smem:$0x3FBB] =	sst s10  }
0x38: {  	s10 =	sld [smem:$0x3FBC]  }
0x39: {  	_ = 	snop;
	(pc) =	sbr.ind lr, $3  }
0x3a: {  	_ = 	snop  }
0x3b: {  	_ = 	snop  }
0x3c: {  	p2 =	seq.s32 s10, $0x1;
	s10 =	sld [smem:$0x3FBB]  }
0x3d: {  	_ =	shalt  }
0x3e: {  	_ =	shalt  }
0x3f: {  	_ =	shalt  }
0x40: {  	_ =	shalt  }
0x41: {  	_ =	shalt  }
0x42: {  	_ =	shalt  }
0x43: {  	_ =	shalt  }
0x44: {  	_ =	shalt  }
0x45: {  	_ =	shalt  }
0x46: {  	_ =	shalt  }
0x47: {  	_ =	shalt  }
0x48: {  	_ =	shalt  }
0x49: {  	_ =	shalt  }
0x4a: {  	_ =	shalt  }
0x4b: {  	_ =	shalt  }
0x4c: {  	_ =	shalt  }
0x4d: {  	_ =	shalt  }
0x4e: {  	_ =	shalt  }
0x4f: {  	_ =	shalt  }
0x50: {  	_ =	shalt  }
0x51: {  	_ =	shalt  }
0x52: {  	_ =	shalt  }
0x53: {  	_ =	shalt  }
0x54: {  	_ =	shalt  }
0x55: {  	_ =	shalt  }
0x56: {  	_ =	shalt  }
0x57: {  	_ =	shalt  }
0x58: {  	_ =	shalt  }
0x59: {  	_ =	shalt  }
0x5a: {  	_ =	shalt  }
0x5b: {  	_ =	shalt  }
0x5c: {  	_ =	shalt  }
0x5d: {  	_ =	shalt  }
0x5e: {  	_ =	shalt  }
0x5f: {  	_ =	shalt  }
0x60: {  	_ =	shalt  }
0x61: {  	_ =	shalt  }
0x62: {  	_ =	shalt  }
0x63: {  	_ =	shalt  }
0x64: {  	_ =	shalt  }
0x65: {  	_ =	shalt  }
0x66: {  	_ =	shalt  }
0x67: {  	_ =	shalt  }
0x68: {  	_ =	shalt  }
0x69: {  	_ =	shalt  }
0x6a: {  	_ =	shalt  }
0x6b: {  	_ =	shalt  }
0x6c: {  	_ =	shalt  }
0x6d: {  	_ =	shalt  }
0x6e: {  	_ =	shalt  }
0x6f: {  	_ =	shalt  }
0x70: {  	_ =	shalt  }
0x71: {  	_ =	shalt  }
0x72: {  	_ =	shalt  }
0x73: {  	_ =	shalt  }
0x74: {  	_ =	shalt  }
0x75: {  	_ =	shalt  }
0x76: {  	_ =	shalt  }
0x77: {  	_ =	shalt  }
0x78: {  	_ =	shalt  }
0x79: {  	_ =	shalt  }
0x7a: {  	_ =	shalt  }
0x7b: {  	_ =	shalt  }
0x7c: {  	_ =	shalt  }
0x7d: {  	_ =	shalt  }
0x7e: {  	_ =	shalt  }
0x7f: {  	_ =	shalt  }
0x80: {  	_ =	shalt  }
0x81: {  	_ =	shalt  }
0x82: {  	_ =	shalt  }
0x83: {  	_ =	shalt  }
0x84: {  	_ =	shalt  }
0x85: {  	_ =	shalt  }
0x86: {  	_ =	shalt  }
0x87: {  	_ =	shalt  }
.Lfunc_end0:
.L_simem_size_0:
called_computation_lowered:
.L_overlay_start_0:
0x88: {  	s2 =	sld [smem:$0x3FD9]  }
0x89: {  	s3 =	sld [smem:$0x3FFE];
	_ =	sdelay $0x1  }
0x8a: {  	s1 =	srdreg.scid  }
0x8b: {  	s0 =	sand.u32 $0x1, s1  }
0x8c: {  	s17 =	sshll.u32 s0, $0xA;
	s2 =	sadd.s32 s3, s2  }
0x8d: {  	s2 =	sadd.s32 s2, s17  }
0x8e: {  	[smem:$0x3FC7] =	sst s2  }
0x8f: {  	_ = 	snop  }
0x90: {  	s2 =	sld [smem:$0x3FC9];
	(tm) =	ssettm $0x1  }
0x91: {  	s18 =	sld [smem:$0x3FFB];
	_ =	sdelay $0x3  }
0x92: {  	_ =	strace s18  }
0x93: {  	s3 =	sld [smem:$0x3FFC];
	_ =	sdelay $0x3  }
0x94: {  	_ =	strace s3  }
0x95: {  	s3 =	sld [smem:$0x3FFD];
	_ =	sdelay $0x3  }
0x96: {  	_ =	strace s3  }
0x97: {  	_ =	strace $0x8FFFFFFF  }
0x98: {  	s19 =	sld [smem:$0x3FDB];
	_ =	sdelay $0x1  }
0x99: {  	s4 =	simm.s32 $_scs_section_size  }
0x9a: {  	s5 =	simm.s32 $_size__tile_overlayer_lowered;
	s6 =	simm.s32 $_tile_overlayer_lowered  }
0x9b: {  	s22 =	simm.s32 $0x1BFF;
	s21 =	sshll.u32 s6, $0x1;
	s3 =	sadd.s32 s4, s19  }
0x9c: {  	s7 =	simm.s32 $0x0;
	s20 =	sshll.u32 s5, $0x1;
	s5 =	sadd.s32 s21, s3  }
0x9d: {  	[timem:s7], [sflag:s22] =	dma.local [hbm:s5], s20  }
0x9e: {  	_ =	swait.ge [sflag:s22], s20  }
0x9f: {  	s4 =	ssub.s32 $0x0, s20;
	[sflag:s22] =	ssyncset.done $0x0  }
0xa0: {  	[sflag:s22] =	ssyncadd.s32 s4;
	_ =	sdelay $0x1  }
0xa1: {  	s23 =	simm.s32 $0x1B8B  }
0xa2: {  	_ =	swait.ge [sflag:s23], $0x1  }
0xa3: {  	[sflag:s23] =	ssyncset.done $0x0  }
0xa4: {  	s25 =	simm.s32 $0x1B8E;
	s24 =	sld [smem:$0x3FFE];
	[sflag:s23] =	ssyncadd.s32 $0xFFFFFFFF  }
0xa5: {  	s26 =	simm.s32 $execute0_lowered;
	[smem:$0x3FD2] =	sst s25  }
0xa6: {  	s5 =	sshll.u32 s26, $0x1;
	_ =	strace $0x80000046;
	[dreg:$0x1] =	wrdreg $0xFFFFFFFF  }
0xa7: {  	s28 =	simm.s32 $_size_execute0_lowered;
	s3 =	sadd.s32 s3, s5;
	[dreg:$0x0] =	wrdreg $0x0  }
0xa8: {  	s5 =	sshll.u32 s28, $0x1;
	[dreg:$0x2] =	wrdreg s3  }
0xa9: {  	[dreg:$0x3] =	wrdreg s5  }
0xaa: {  	[dreg:$0x4] =	wrdreg $0xC0  }
0xab: {  	_ =	task [dreg:s7], $0x5FFFF  }
0xac: {  	[dreg:$0x1] =	wrdreg $0xFFFFFFFF  }
0xad: {  	[dreg:$0x0] =	wrdreg $0x60  }
0xae: {  	[dreg:$0x2] =	wrdreg s2  }
0xaf: {  	[dreg:$0x3] =	wrdreg s24  }
0xb0: {  	[dreg:$0x4] =	wrdreg $0x9  }
0xb1: {  	_ =	task.clear_ibuf [dreg:s7], $0x5FFFF;
	_ =	strace $0x90000046  }
0xb2: {  	s29 =	simm.s32 $0x9;
	_ =	strace $0x80000048  }
0xb3: {  	_ =	swait.ge [sflag:s29], $0x1  }
0xb4: {  	[sflag:s29] =	ssyncadd.s32 $0xFFFFFFFF  }
0xb5: {  	_ =	strace $0x90000048  }
0xb6: {  	_ =	sfence  }
0xb7: {  	s30 =	sld [smem:$0x0];
	_ =	sdelay $0x2  }
0xb8: {  	s31 =	sshll.u32 s1, $0xD;
	s1 =	sshrl.u32 s1, $0x2  }
0xb9: {  	s3 =	sand.u32 $0x4000, s31;
	s1 =	sadd.s32 s1, s30  }
0xba: {  	s0 =	sor.u32 s3, s0;
	s1 =	sshll.u32 s1, $0x11  }
0xbb: {  	s0 =	sor.u32 s1, s0  }
0xbc: {  	s0 =	sadd.s32 $0x8F2B, s0  }
0xbd: {  	[sflag:s0] =	ssyncadd.remote.s32 $0x1  }
0xbe: {  	_ =	sfence.sel $0xFFFF  }
0xbf: {  	[dreg:$0x0] =	wrdreg $0xFFFFFFFF;
	(pc) =	sbr.abs _section_cstart, $3  }
0xc0: {  	[dreg:$0x1] =	wrdreg $0xFFFFFFFF  }
0xc1: {  	_ =	task.clear_ibuf [dreg:s7], $0x2FFFF;
	_ =	strace $0x9FFFFFFF  }
0xc2: {  	(tm) =	ssettm $0x7FFFFFFF  }
0xc3: {  	_ =	shalt  }
tec
execute0_lowered:
.L_overlay_start_1:
0x0: {  	(tag) =	ssettag $0x1  }
0x1: {  	s1 =	srdreg.scid;
	s4 =	rddreg [dreg:$0x0]  }
0x2: {  	s0 =	stileid.u32;
	s5 =	rddreg [dreg:$0x1]  }
0x3: {  	s2 =	simm.s32 $0x0;
	s10 =	simm.s32 $0x10000;
	s11 =	simm.s32 $0x3  }
0x4: {  	s12 =	simm.s32 $0x8000;
	s13 =	simm.s32 $0x1;
	s14 =	simm.s32 $0x2  }
0x5: {  	s15 =	simm.s32 $0x10080;
	s3 =	sand.u32 $0x1, s1;
	s29 =	sshll.u32 s0, $0x1  }
0x6: {  	s16 =	simm.s32 $0x0;
	[smem:$0x7FF] =	sst s2;
	s6 =	sor.u32 s3, s29  }
0x7: {  	s1 =	rddreg [dreg:$0x2];
	_ =	strace $0x80000047;
	s7 =	sshll.u32 s6, $0xD  }
0x8: {  	s3 =	ssub.s32 $0x2, s3;
	s8 =	sshll.u32 s6, $0x4;
	s7 =	smax.u32 s7, $0x1  }
.Ltmp0:
0x9: {  	s31 =	sshrl.u32 s3, $0x1;
	s7 =	sshll.u32 s7, $0x4;
	(pc) =	sbr.rel .LBB2_1-.Ltmp0, $4  }
0xa: {  	s6 =	sshll.u32 s6, $0x11;
	s8 =	sadd.s32 s8, s5;
	s30 =	sadd.s32 $0xFFFFFF0, s7  }
0xb: {  	s9 =	ssub.s32 s3, s31;
	s8 =	sadd.s32 $0x600, s8;
	s5 =	sand.u32 $0xFFFFFF0, s30  }
0xc: {  	s9 =	smax.u32 s9, $0x1;
	s3 =	sadd.s32 s4, s5;
	s4 =	sadd.s32 s4, s6  }
0xd: {  	v0 =	vimm.f32 $1.000000000e+00;
	v1 =	vimm.f32 $0.0e+00;
	s5 =	sadd.s32 $0x1000, s4;
	s6 =	sadd.s32 $0x2000, s4;
	s7 =	sadd.s32 $0x3000, s4  }
.LBB2_8:
0xe: {  	[tilespmem:$0x10080] =	vst v15  }
0xf: {  	[tilespmem:$0x10090] =	vst v14  }
0x10: {  	[tilespmem:$0x100A0] =	vst v12  }
0x11: {  	[tilespmem:$0x100B0] =	vst v11  }
0x12: {  	[tilespmem:$0x100C0] =	vst v10  }
0x13: {  	[tilespmem:$0x100D0] =	vst v9;
	s16 =	sadd.s32 $0x1, s16  }
0x14: {  	[tilespmem:$0x100E0] =	vst v7;
	p0 =	sne.s32 s16, s9  }
.Ltmp1:
0x15: {  	[tilespmem:$0x100F0] =	vst v16;
	(pc) =	sbr.rel @!p0 .LBB2_9-.Ltmp1, $4  }
0x16: {  	[hbm4b:s8+s2] =	stream.linear.scatter [tilespmem:s15], [sflag:$0x3], $0x80, $0x38;
	[tilespmem:$0x10100] =	vst v63  }
0x17: {  	_ =	swait.ge [sflag:s11], $0x80  }
0x18: {  	[sflag:s11] =	ssyncset.done $0x0  }
0x19: {  	[sflag:s11] =	ssyncadd.s32 $0xFFFFFF80  }
.LBB2_1:
0x1a: {  	[tilespmem:s10], [sflag:$0x3] =	stream.linear.gather [hbm4b:s3+s2], $0x80, $0x38;
	[tilespmem:$0x10100] =	vst v63  }
0x1b: {  	_ =	swait.ge [sflag:s11], $0x80  }
0x1c: {  	[sflag:s11] =	ssyncset.done $0x0  }
0x1d: {  	[sflag:s11] =	ssyncadd.s32 $0xFFFFFF80  }
0x1e: {  	[tilespmem:s2], [sflag:$0x1] =	stream.linear.gather [hbm4b:s4+s2], $0x8000, $0x38;
	[tilespmem:$0x10100] =	vst v63  }
0x1f: {  	_ = 	snop  }
0x20: {  	[tilespmem:s12], [sflag:$0x2] =	stream.linear.gather [hbm4b:s5+s2], $0x8000, $0x38;
	[tilespmem:$0x10100] =	vst v63  }
0x21: {  	v2 =	vld [tilespmem:$0x10000]  }
0x22: {  	v3 =	vld [tilespmem:$0x10010]  }
0x23: {  	v4 =	vld [tilespmem:$0x10020]  }
0x24: {  	v5 =	vld [tilespmem:$0x10030]  }
0x25: {  	v6 =	vld [tilespmem:$0x10040]  }
0x26: {  	v7 =	vld [tilespmem:$0x10050]  }
0x27: {  	v8 =	vld [tilespmem:$0x10060]  }
0x28: {  	v9 =	vld [tilespmem:$0x10070]  }
0x29: {  	v16 =	vimm.f32 $0.0e+00;
	v10 =	vimm.f32 $0.0e+00;
	v11 =	vimm.f32 $0.0e+00  }
0x2a: {  	v12 =	vimm.f32 $0.0e+00;
	v14 =	vimm.f32 $0.0e+00;
	v15 =	vimm.f32 $0.0e+00  }
0x2b: {  	vm0 =	vgt.f32 v2, $0.0e+00;
	vm10 =	vgt.f32 v3, $0.0e+00;
	vm11 =	vgt.f32 v4, $0.0e+00  }
0x2c: {  	vm1 =	vgt.f32 v5, $0.0e+00;
	vm12 =	vgt.f32 v6, $0.0e+00;
	vm13 =	vgt.f32 v7, $0.0e+00  }
0x2d: {  	vm14 =	vgt.f32 v8, $0.0e+00;
	vm15 =	vgt.f32 v9, $0.0e+00;
	v7 =	vimm.f32 $0.0e+00  }
0x2e: {  	v9 =	vimm.f32 $0.0e+00;
	v2 =	vsel vm0, $0x0, v0;
	v3 =	vsel vm10, $0x0, v0  }
0x2f: {  	v4 =	vsel vm11, $0x0, v0;
	v5 =	vsel vm1, $0x0, v0;
	v6 =	vsel vm12, $0x0, v0  }
0x30: {  	s17 =	simm.s32 $0x0;
	v13 =	vsel vm13, $0x0, v0;
	v8 =	vsel vm14, $0x0, v0;
	v18 =	vsel vm15, $0x0, v0  }
.LBB2_2:
0x31: {  	_ =	swait.ge [sflag:s13], $0x8000  }
0x32: {  	[sflag:s13] =	ssyncset.done $0x0  }
0x33: {  	s18 =	simm.s32 $0x0;
	[sflag:s13] =	ssyncadd.s32 $0xFFFF8000  }
0x34: {  	v17 =	vld [tilespmem:s18+$0x70]  }
0x35: {  	v19 =	vld [tilespmem:s18+$0x0]  }
0x36: {  	v20 =	vld [tilespmem:s18+$0x10]  }
0x37: {  	v21 =	vld [tilespmem:s18+$0x20]  }
0x38: {  	v22 =	vld [tilespmem:s18+$0x30]  }
0x39: {  	v23 =	vld [tilespmem:s18+$0x40]  }
0x3a: {  	v30 =	vld [tilespmem:s18+$0x60];
	_ =	sdelay $0x2  }
0x3b: {  	vm0 =	vgt.f32 v17, $0.0e+00;
	vm1 =	vgt.f32 v19, $0.0e+00;
	v19 =	vld [tilespmem:s18+$0x50];
	vm10 =	vgt.f32 v20, $0.0e+00  }
0x3c: {  	vm11 =	vgt.f32 v21, $0.0e+00;
	vm12 =	vgt.f32 v22, $0.0e+00;
	vm13 =	vgt.f32 v23, $0.0e+00  }
0x3d: {  	vm15 =	vgt.f32 v30, $0.0e+00;
	v17 =	vsel vm0, $0x3F800000, v1;
	v24 =	vsel vm1, $0x3F800000, v1  }
0x3e: {  	v26 =	vsel vm10, $0x3F800000, v1;
	v25 =	vsel vm11, $0x3F800000, v1;
	v28 =	vsel vm12, $0x3F800000, v1  }
0x3f: {  	v27 =	vsel vm13, $0x3F800000, v1;
	v20 =	vmul.f32 v17, v18;
	v18 =	vsub.f32 $1.000000000e+00, v24  }
0x40: {  	v21 =	vsub.f32 $1.000000000e+00, v25;
	v22 =	vsub.f32 $1.000000000e+00, v28;
	vm14 =	vgt.f32 v19, $0.0e+00  }
0x41: {  	v16 =	vadd.f32 v20, v16;
	v20 =	vsub.f32 $1.000000000e+00, v26;
	v29 =	vsel vm14, $0x3F800000, v1  }
0x42: {  	s19 =	simm.s32 $0x400;
	s18 =	simm.s32 $0x80;
	v30 =	vsel vm15, $0x3F800000, v1;
	v23 =	vsub.f32 $1.000000000e+00, v27;
	v19 =	vsub.f32 $1.000000000e+00, v29  }
.LBB2_3:
0x43: {  	p0 =	sne.s32 s19, $0x1FE00;
	v31 =	vld [tilespmem:s18+$0x70];
	v24 =	vmul.f32 v24, v2;
	v26 =	vmul.f32 v26, v3;
	v32 =	vsub.f32 $1.000000000e+00, v30;
	v2 =	vmovc v18;
	v3 =	vmovc v20  }
0x44: {  	v20 =	vmul.f32 v25, v4;
	v25 =	vmul.f32 v28, v5;
	v4 =	vmovc v21;
	v5 =	vmov v22;
	v18 =	vld [tilespmem:s18+$0x0]  }
0x45: {  	v22 =	vmul.f32 v27, v6;
	v6 =	vmovc v23;
	v21 =	vld [tilespmem:s18+$0x10];
	v15 =	vadd.f32 v24, v15;
	v24 =	vmul.f32 v29, v13  }
0x46: {  	v14 =	vadd.f32 v26, v14;
	v12 =	vadd.f32 v20, v12;
	v20 =	vmul.f32 v30, v8;
	v8 =	vmovc v32;
	v23 =	vld [tilespmem:s18+$0x20]  }
0x47: {  	v11 =	vadd.f32 v25, v11;
	v10 =	vadd.f32 v22, v10;
	v13 =	vmov v19;
	v27 =	vld [tilespmem:s18+$0x30]  }
0x48: {  	v22 =	vsub.f32 $1.000000000e+00, v17;
	v9 =	vadd.f32 v24, v9;
	v19 =	vld [tilespmem:s18+$0x40];
	vm0 =	vgt.f32 v31, $0.0e+00  }
0x49: {  	v7 =	vadd.f32 v20, v7;
	vm1 =	vgt.f32 v18, $0.0e+00;
	v29 =	vld [tilespmem:s18+$0x50];
	v17 =	vsel vm0, $0x3F800000, v1  }
0x4a: {  	v24 =	vsel vm1, $0x3F800000, v1;
	vm0 =	vgt.f32 v21, $0.0e+00;
	v30 =	vld [tilespmem:s18+$0x60];
	v20 =	vmul.f32 v17, v22  }
0x4b: {  	v18 =	vsub.f32 $1.000000000e+00, v24;
	v26 =	vsel vm0, $0x3F800000, v1;
	vm0 =	vgt.f32 v23, $0.0e+00  }
.Ltmp2:
0x4c: {  	v25 =	vsel vm0, $0x3F800000, v1;
	vm0 =	vgt.f32 v27, $0.0e+00;
	v16 =	vadd.f32 v20, v16;
	(pc) =	sbr.rel @p0 .LBB2_3-.Ltmp2, $4  }
0x4d: {  	v20 =	vsub.f32 $1.000000000e+00, v26;
	v28 =	vsel vm0, $0x3F800000, v1;
	vm0 =	vgt.f32 v19, $0.0e+00  }
0x4e: {  	v21 =	vsub.f32 $1.000000000e+00, v25;
	v27 =	vsel vm0, $0x3F800000, v1;
	vm0 =	vgt.f32 v29, $0.0e+00  }
0x4f: {  	v22 =	vsub.f32 $1.000000000e+00, v28;
	v29 =	vsel vm0, $0x3F800000, v1;
	vm0 =	vgt.f32 v30, $0.0e+00  }
0x50: {  	s18 =	sshra.s32 s19, $0x2;
	s19 =	sadd.s32 $0x200, s19;
	v23 =	vsub.f32 $1.000000000e+00, v27;
	v19 =	vsub.f32 $1.000000000e+00, v29;
	v30 =	vsel vm0, $0x3F800000, v1  }
0x51: {  	v31 =	vld [tilespmem:s18+$0x70];
	v2 =	vmul.f32 v24, v2  }
0x52: {  	v3 =	vmul.f32 v26, v3;
	v24 =	vld [tilespmem:s18+$0x0];
	v26 =	vsub.f32 $1.000000000e+00, v30  }
0x53: {  	v4 =	vmul.f32 v25, v4;
	v5 =	vmul.f32 v28, v5;
	v25 =	vld [tilespmem:s18+$0x10];
	v28 =	vadd.f32 v2, v15  }
0x54: {  	v2 =	vmul.f32 v27, v6;
	v6 =	vmul.f32 v29, v13;
	v13 =	vld [tilespmem:s18+$0x20];
	v14 =	vadd.f32 v3, v14  }
0x55: {  	v12 =	vadd.f32 v4, v12;
	v3 =	vmul.f32 v30, v8;
	v4 =	vld [tilespmem:s18+$0x30];
	v8 =	vadd.f32 v5, v11  }
0x56: {  	v5 =	vld [tilespmem:s18+$0x40];
	v27 =	vadd.f32 v2, v10;
	v9 =	vadd.f32 v6, v9  }
0x57: {  	v2 =	vsub.f32 $1.000000000e+00, v17;
	v6 =	vld [tilespmem:s18+$0x50];
	vm0 =	vgt.f32 v31, $0.0e+00;
	vm1 =	vgt.f32 v24, $0.0e+00  }
0x58: {  	p0 =	seq.s32 s17, $0xF;
	v10 =	vld [tilespmem:s18+$0x60];
	s18 =	sshll.u32 s17, $0xD;
	v24 =	vadd.f32 v3, v7;
	vm14 =	vgt.f32 v25, $0.0e+00;
	v17 =	vsel vm0, $0x3F800000, v1  }
0x59: {  	s20 =	simm.s32 @!p0 $0x0;
	s19 =	sadd.s32 @!p0 s18, s6;
	v7 =	vsel vm1, $0x3F800000, v1;
	v11 =	vsel vm14, $0x3F800000, v1;
	v3 =	vmul.f32 v17, v2  }
0x5a: {  	[tilespmem:s20], [sflag:$0x1] =	stream.linear.gather @!p0 [hbm4b:s19+s20], $0x8000, $0x38;
	vm15 =	vgt.f32 v13, $0.0e+00;
	v2 =	vsub.f32 $1.000000000e+00, v7;
	vm4 =	vgt.f32 v4, $0.0e+00;
	[tilespmem:$0x10100] =	vst v63  }
0x5b: {  	vm5 =	vgt.f32 v5, $0.0e+00;
	_ =	swait.ge [sflag:s14], $0x8000;
	v13 =	vsel vm15, $0x3F800000, v1;
	v25 =	vsel vm4, $0x3F800000, v1  }
0x5c: {  	v29 =	vsel vm5, $0x3F800000, v1;
	[sflag:s14] =	ssyncset.done $0x0;
	v16 =	vadd.f32 v3, v16;
	v3 =	vsub.f32 $1.000000000e+00, v11  }
0x5d: {  	s31 =	simm.s32 $0x0;
	v4 =	vsub.f32 $1.000000000e+00, v13;
	vm6 =	vgt.f32 v6, $0.0e+00;
	v5 =	vsub.f32 $1.000000000e+00, v25;
	[sflag:s14] =	ssyncadd.s32 $0xFFFF8000  }
0x5e: {  	vm7 =	vgt.f32 v10, $0.0e+00;
	v10 =	vmul.f32 v7, v18;
	v11 =	vmul.f32 v11, v20;
	v18 =	vld [tilespmem:s31+$0x8070]  }
0x5f: {  	v6 =	vsub.f32 $1.000000000e+00, v29;
	v13 =	vmul.f32 v13, v21;
	v21 =	vmul.f32 v25, v22;
	v20 =	vld [tilespmem:s31+$0x8000]  }
0x60: {  	v22 =	vmul.f32 v29, v23;
	v30 =	vsel vm6, $0x3F800000, v1;
	v31 =	vsel vm7, $0x3F800000, v1;
	v23 =	vld [tilespmem:s31+$0x8010]  }
0x61: {  	v25 =	vld [tilespmem:s31+$0x8020];
	v15 =	vsub.f32 $1.000000000e+00, v30;
	v7 =	vsub.f32 $1.000000000e+00, v31  }
0x62: {  	v29 =	vld [tilespmem:s31+$0x8050];
	v10 =	vadd.f32 v10, v28;
	v19 =	vmul.f32 v30, v19;
	v11 =	vadd.f32 v11, v14  }
0x63: {  	v12 =	vadd.f32 v13, v12;
	v26 =	vmul.f32 v31, v26;
	v13 =	vadd.f32 v21, v8;
	v21 =	vld [tilespmem:s31+$0x8030]  }
0x64: {  	v14 =	vadd.f32 v22, v27;
	v22 =	vld [tilespmem:s31+$0x8040];
	v9 =	vadd.f32 v19, v9  }
0x65: {  	v19 =	vsub.f32 $1.000000000e+00, v17;
	v8 =	vadd.f32 v26, v24  }
0x66: {  	vm8 =	vgt.f32 v18, $0.0e+00;
	vm9 =	vgt.f32 v20, $0.0e+00;
	vm10 =	vgt.f32 v23, $0.0e+00  }
0x67: {  	v23 =	vld [tilespmem:s31+$0x8060];
	vm11 =	vgt.f32 v25, $0.0e+00;
	vm14 =	vgt.f32 v29, $0.0e+00;
	v17 =	vsel vm8, $0x3F800000, v1  }
0x68: {  	v24 =	vsel vm9, $0x3F800000, v1;
	v26 =	vsel vm10, $0x3F800000, v1;
	v25 =	vsel vm11, $0x3F800000, v1  }
0x69: {  	vm12 =	vgt.f32 v21, $0.0e+00;
	vm13 =	vgt.f32 v22, $0.0e+00;
	v29 =	vsel vm14, $0x3F800000, v1  }
0x6a: {  	v19 =	vmul.f32 v17, v19;
	v18 =	vsub.f32 $1.000000000e+00, v24;
	v20 =	vsub.f32 $1.000000000e+00, v26  }
0x6b: {  	v28 =	vsel vm12, $0x3F800000, v1;
	v21 =	vsub.f32 $1.000000000e+00, v25;
	v27 =	vsel vm13, $0x3F800000, v1  }
0x6c: {  	v22 =	vsub.f32 $1.000000000e+00, v28;
	v16 =	vadd.f32 v19, v16;
	vm15 =	vgt.f32 v23, $0.0e+00  }
0x6d: {  	s19 =	simm.s32 $0x80;
	s20 =	simm.s32 $0x400;
	v19 =	vsub.f32 $1.000000000e+00, v29;
	v23 =	vsub.f32 $1.000000000e+00, v27;
	v30 =	vsel vm15, $0x3F800000, v1  }
.LBB2_5:
0x6e: {  	p1 =	sne.s32 s20, $0x1FE00;
	v31 =	vld [tilespmem:s19+$0x8070];
	v24 =	vmul.f32 v24, v2;
	v26 =	vmul.f32 v26, v3;
	v32 =	vsub.f32 $1.000000000e+00, v30;
	v2 =	vmovc v18;
	v3 =	vmovc v20  }
0x6f: {  	v20 =	vmul.f32 v25, v4;
	v25 =	vmul.f32 v28, v5;
	v4 =	vmovc v21;
	v5 =	vmov v22;
	v18 =	vld [tilespmem:s19+$0x8000]  }
0x70: {  	v22 =	vmul.f32 v27, v6;
	v6 =	vmovc v23;
	v21 =	vld [tilespmem:s19+$0x8010];
	v10 =	vadd.f32 v24, v10;
	v24 =	vmul.f32 v29, v15  }
0x71: {  	v11 =	vadd.f32 v26, v11;
	v12 =	vadd.f32 v20, v12;
	v20 =	vmul.f32 v30, v7;
	v7 =	vmovc v32;
	v23 =	vld [tilespmem:s19+$0x8020]  }
0x72: {  	v13 =	vadd.f32 v25, v13;
	v14 =	vadd.f32 v22, v14;
	v15 =	vmov v19;
	v27 =	vld [tilespmem:s19+$0x8030]  }
0x73: {  	v22 =	vsub.f32 $1.000000000e+00, v17;
	v9 =	vadd.f32 v24, v9;
	v19 =	vld [tilespmem:s19+$0x8040];
	vm0 =	vgt.f32 v31, $0.0e+00  }
0x74: {  	v8 =	vadd.f32 v20, v8;
	vm1 =	vgt.f32 v18, $0.0e+00;
	v29 =	vld [tilespmem:s19+$0x8050];
	v17 =	vsel vm0, $0x3F800000, v1  }
0x75: {  	v24 =	vsel vm1, $0x3F800000, v1;
	vm0 =	vgt.f32 v21, $0.0e+00;
	v30 =	vld [tilespmem:s19+$0x8060];
	v20 =	vmul.f32 v17, v22  }
0x76: {  	v18 =	vsub.f32 $1.000000000e+00, v24;
	v26 =	vsel vm0, $0x3F800000, v1;
	vm0 =	vgt.f32 v23, $0.0e+00  }
.Ltmp3:
0x77: {  	v25 =	vsel vm0, $0x3F800000, v1;
	vm0 =	vgt.f32 v27, $0.0e+00;
	v16 =	vadd.f32 v20, v16;
	(pc) =	sbr.rel @p1 .LBB2_5-.Ltmp3, $4  }
0x78: {  	v20 =	vsub.f32 $1.000000000e+00, v26;
	v28 =	vsel vm0, $0x3F800000, v1;
	vm0 =	vgt.f32 v19, $0.0e+00  }
0x79: {  	v21 =	vsub.f32 $1.000000000e+00, v25;
	v27 =	vsel vm0, $0x3F800000, v1;
	vm0 =	vgt.f32 v29, $0.0e+00  }
0x7a: {  	v22 =	vsub.f32 $1.000000000e+00, v28;
	v29 =	vsel vm0, $0x3F800000, v1;
	vm0 =	vgt.f32 v30, $0.0e+00  }
0x7b: {  	s19 =	sshra.s32 s20, $0x2;
	s20 =	sadd.s32 $0x200, s20;
	v23 =	vsub.f32 $1.000000000e+00, v27;
	v19 =	vsub.f32 $1.000000000e+00, v29;
	v30 =	vsel vm0, $0x3F800000, v1  }
0x7c: {  	v31 =	vld [tilespmem:s19+$0x8070]  }
0x7d: {  	v2 =	vmul.f32 v24, v2;
	v3 =	vmul.f32 v26, v3;
	v56 =	vld [tilespmem:s19+$0x8000]  }
0x7e: {  	v4 =	vmul.f32 v25, v4;
	v5 =	vmul.f32 v28, v5;
	v57 =	vld [tilespmem:s19+$0x8010]  }
0x7f: {  	v10 =	vadd.f32 v2, v10;
	v2 =	vmul.f32 v27, v6;
	v6 =	vmul.f32 v29, v15;
	v15 =	vld [tilespmem:s19+$0x8020]  }
0x80: {  	v55 =	vsub.f32 $1.000000000e+00, v30;
	v12 =	vadd.f32 v4, v12;
	v4 =	vld [tilespmem:s19+$0x8030]  }
0x81: {  	v11 =	vadd.f32 v3, v11;
	v3 =	vmul.f32 v30, v7;
	v7 =	vadd.f32 v5, v13;
	v5 =	vld [tilespmem:s19+$0x8040]  }
0x82: {  	v13 =	vld [tilespmem:s19+$0x8060];
	v27 =	vadd.f32 v2, v14;
	v9 =	vadd.f32 v6, v9  }
0x83: {  	v2 =	vsub.f32 $1.000000000e+00, v17;
	v58 =	vadd.f32 v3, v8  }
0x84: {  	vm0 =	vgt.f32 v31, $0.0e+00;
	vm1 =	vgt.f32 v56, $0.0e+00;
	vm10 =	vgt.f32 v57, $0.0e+00  }
0x85: {  	v6 =	vld [tilespmem:s19+$0x8050];
	v17 =	vsel vm0, $0x3F800000, v1;
	v8 =	vsel vm1, $0x3F800000, v1;
	v14 =	vsel vm10, $0x3F800000, v1  }
0x86: {  	v3 =	vmul.f32 v17, v2;
	v2 =	vsub.f32 $1.000000000e+00, v8;
	vm11 =	vgt.f32 v15, $0.0e+00  }
0x87: {  	vm12 =	vgt.f32 v4, $0.0e+00;
	vm13 =	vgt.f32 v5, $0.0e+00;
	vm15 =	vgt.f32 v13, $0.0e+00  }
0x88: {  	v18 =	vmul.f32 v8, v18;
	v15 =	vsel vm11, $0x3F800000, v1;
	v59 =	vsel vm12, $0x3F800000, v1  }
0x89: {  	v60 =	vsel vm13, $0x3F800000, v1;
	v62 =	vsel vm15, $0x3F800000, v1;
	v16 =	vadd.f32 v3, v16  }
0x8a: {  	v3 =	vsub.f32 $1.000000000e+00, v14;
	v4 =	vsub.f32 $1.000000000e+00, v15;
	vm14 =	vgt.f32 v6, $0.0e+00  }
0x8b: {  	v5 =	vsub.f32 $1.000000000e+00, v59;
	v6 =	vsub.f32 $1.000000000e+00, v60;
	v14 =	vmul.f32 v14, v20  }
0x8c: {  	v8 =	vsub.f32 $1.000000000e+00, v62;
	v20 =	vmul.f32 v15, v21;
	v63 =	vmul.f32 v59, v22  }
.Ltmp4:
0x8d: {  	v15 =	vadd.f32 v18, v10;
	v10 =	vmul.f32 v60, v23;
	v61 =	vsel vm14, $0x3F800000, v1;
	(pc) =	sbr.rel @p0 .LBB2_8-.Ltmp4, $4  }
0x8e: {  	v13 =	vsub.f32 $1.000000000e+00, v61;
	v18 =	vmul.f32 v61, v19;
	v14 =	vadd.f32 v14, v11  }
0x8f: {  	v12 =	vadd.f32 v20, v12;
	v19 =	vmul.f32 v62, v55;
	v11 =	vadd.f32 v63, v7  }
0x90: {  	v10 =	vadd.f32 v10, v27;
	v9 =	vadd.f32 v18, v9  }
0x91: {  	v18 =	vsub.f32 $1.000000000e+00, v17;
	v7 =	vadd.f32 v19, v58  }
.Ltmp5:
0x92: {  	(pc) =	sbr.rel .LBB2_2-.Ltmp5, $3  }
0x93: {  	_ =	sdelay $0x1  }
0x94: {  	s18 =	sadd.s32 s18, s7;
	s17 =	sadd.s32 $0x1, s17  }
0x95: {  	[tilespmem:s12], [sflag:$0x2] =	stream.linear.gather [hbm4b:s18+s2], $0x8000, $0x38;
	[tilespmem:$0x10100] =	vst v63  }
.LBB2_9:
0x96: {  	_ =	sfence.sel $0x180000  }
0x97: {  	[bflag:$0x0] =	sbarrier.arrive $0xFFFF  }
0x98: {  	p0 =	sne.s32 s0, $0x0;
	_ =	strace $0x90000047  }
0x99: {  	s0 =	sadd.s32 @!p0 $0x100000, s1;
	[bflag:$0x2] =	sbarrier.arrive $0xFFFF  }
0x9a: {  	[sflag:s0] =	ssyncadd.tile.s32 @!p0 $0x1;
	_ =	shalt  }
.Lfunc_end2:
_tile_overlayer_lowered:
.L_overlay_start_2:
0x9b: {  	(tag) =	ssettag $0x2  }
0x9c: {  	s0 =	rddreg [dreg:$0x0];
	s2 =	stileid.u32  }
0x9d: {  	s1 =	rddreg [dreg:$0x1];
	p0 =	sne.s32 s2, $0x0  }
0x9e: {  	s3 =	rddreg [dreg:$0x2];
	[bflag:$0x3] =	sbarrier.arrive $0xFFFF;
	s2 =	simm.s32 @!p0 $0x1C03  }
0x9f: {  	[timem:s3], [sflag:s2] =	dma.local @!p0 [hbm:s0], s1  }
0xa0: {  	s0 =	simm.s32 @!p0 $0x3  }
0xa1: {  	_ =	swait.ge @!p0 [sflag:s0], s1  }
0xa2: {  	s1 =	ssub.s32 @!p0 $0x0, s1;
	[sflag:s0] =	ssyncset.done @!p0 $0x0  }
0xa3: {  	[sflag:s0] =	ssyncadd.s32 @!p0 s1  }
0xa4: {  	[bflag:$0x3] =	sbarrier.arrive $0xFFFF  }
0xa5: {  	_ =	shalt  }

</sc_bundles>
